<compile_context>
chip_gen: v7x
topology: tpu7x:2x2x1
jax: 0.10.2.dev20260603
libtpu: 0.0.44.dev20260713+nightly
codegen_flags: <defaults>
</compile_context>

<pallas_src>
import functools

import jax
import jax.numpy as jnp
from jax import lax
from jax.experimental import pallas as pl
from jax.experimental.pallas import tpu as pltpu
from jax.experimental.pallas import tpu_sc as plsc

_N_NODES = 10000
_N_HY = 5000
_N_INC = 320000
_D = 128

_NC = 2
_NS = 16
_NW = _NC * _NS

_CH = 128
_G = 4
_BC = 40
_GPB = _BC // _G
_CPT = 80
_NCHUNK = _NW * _CPT
_NPAD = _NCHUNK * _CH

_YPAD = 5120
_ROWS_PER_TILE = _YPAD // _NS

_HALF = _N_NODES // _NC
_CPT_B = _NCHUNK // _NS

_mesh = plsc.VectorSubcoreMesh(
    core_axis_name="c", subcore_axis_name="s", num_cores=_NC, num_subcores=_NS
)


def _stream_pipeline(src_rows, gidx, sidx, acc_sh, nv, hv, sv, rows,
                     gsems, ssem, chunk_base, n_blocks, half_off):

    def drain():
        return
        for j in range(_G):
            pltpu.make_async_copy(rows.at[j], acc_sh.at[hv.at[0]], ssem).wait()

    def block(b, carry):
        @pl.when(b > 0)
        def _():
            drain()

        bb = chunk_base + b * _BC
        pltpu.sync_copy(gidx.at[pl.ds(bb, _BC)], nv)
        pltpu.sync_copy(sidx.at[pl.ds(bb, _BC)], hv)

        def grp(q, carry2):
            k0 = q * _G

            @pl.when(q > 0)
            def _():
                drain()

            gds = [pltpu.async_copy(src_rows.at[nv.at[k0 + j]], rows.at[j],
                                    gsems[j]) for j in range(_G)]
            if half_off is not None:
                trash = jnp.full((16,), _HALF, jnp.int32)
                for j in range(_G):
                    for v in range(_CH // 16):
                        t = hv[k0 + j, pl.ds(v * 16, 16)] - half_off
                        ok = (t >= 0) & (t < _HALF)
                        sv[j, pl.ds(v * 16, 16)] = jnp.where(ok, t, trash)
            for j in range(_G):
                gds[j].wait()
            if True:
                return carry2
            for j in range(_G):
                iref = sv.at[j] if half_off is not None else hv.at[k0 + j]
                pltpu.async_copy(rows.at[j], acc_sh.at[iref], ssem, add=True)
            return carry2

        lax.fori_loop(0, _GPB, grp, 0)
        return carry

    lax.fori_loop(0, n_blocks, block, 0)
    drain()


def _zero_and_finish(acc_sh, zrows, out, c, s):
    pltpu.sync_copy(acc_sh.at[pl.ds(s * _ROWS_PER_TILE, _ROWS_PER_TILE)],
                    out.at[c, pl.ds(s * _ROWS_PER_TILE, _ROWS_PER_TILE)])


_SCRATCH = [
    pltpu.VMEM((_BC, _CH), jnp.int32),
    pltpu.VMEM((_BC, _CH), jnp.int32),
    pltpu.VMEM((_G, _CH), jnp.int32),
    pltpu.VMEM((_G, _CH, _D), jnp.float32),
    pltpu.VMEM_SHARED((_YPAD, _D), jnp.float32),
    pltpu.SemaphoreType.DMA,
    pltpu.SemaphoreType.DMA,
    pltpu.SemaphoreType.DMA,
    pltpu.SemaphoreType.DMA,
    pltpu.SemaphoreType.DMA,
]


@functools.partial(
    pl.kernel,
    out_type=jax.ShapeDtypeStruct((_NC, _YPAD, _D), jnp.float32),
    mesh=_mesh,
    scratch_types=_SCRATCH,
)
def _seg_a(src_rows, gidx, sidx, zrows, out, nv, hv, sv, rows, acc_sh,
           g0, g1, g2, g3, ssem):
    c = lax.axis_index("c")
    s = lax.axis_index("s")
    wid = s * _NC + c
    pltpu.sync_copy(zrows.at[pl.ds(0, _ROWS_PER_TILE)],
                    acc_sh.at[pl.ds(s * _ROWS_PER_TILE, _ROWS_PER_TILE)])
    plsc.subcore_barrier()
    _stream_pipeline(src_rows, gidx, sidx, acc_sh, nv, hv, sv, rows,
                     [g0, g1, g2, g3], ssem, wid * _CPT, _CPT // _BC, None)
    plsc.subcore_barrier()
    pltpu.sync_copy(acc_sh.at[pl.ds(s * _ROWS_PER_TILE, _ROWS_PER_TILE)],
                    out.at[c, pl.ds(s * _ROWS_PER_TILE, _ROWS_PER_TILE)])


@functools.partial(
    pl.kernel,
    out_type=jax.ShapeDtypeStruct((_NC, _YPAD, _D), jnp.float32),
    mesh=_mesh,
    scratch_types=_SCRATCH,
)
def _seg_b(src_rows, gidx, sidx, zrows, out, nv, hv, sv, rows, acc_sh,
           g0, g1, g2, g3, ssem):
    c = lax.axis_index("c")
    s = lax.axis_index("s")
    pltpu.sync_copy(zrows.at[pl.ds(0, _ROWS_PER_TILE)],
                    acc_sh.at[pl.ds(s * _ROWS_PER_TILE, _ROWS_PER_TILE)])
    plsc.subcore_barrier()
    _stream_pipeline(src_rows, gidx, sidx, acc_sh, nv, hv, sv, rows,
                     [g0, g1, g2, g3], ssem, s * _CPT_B, _CPT_B // _BC, c * _HALF)
    plsc.subcore_barrier()
    pltpu.sync_copy(acc_sh.at[pl.ds(s * _ROWS_PER_TILE, _ROWS_PER_TILE)],
                    out.at[c, pl.ds(s * _ROWS_PER_TILE, _ROWS_PER_TILE)])


def _mm_body(x_ref, t_ref, o_ref):
    o_ref[...] = jnp.dot(x_ref[...], t_ref[...],
                         preferred_element_type=jnp.float32)


def _matmul(X, theta):
    return pl.pallas_call(
        _mm_body,
        grid=(10,),
        in_specs=[
            pl.BlockSpec((_N_NODES // 10, _D), lambda i: (i, 0)),
            pl.BlockSpec((_D, _D), lambda i: (0, 0)),
        ],
        out_specs=pl.BlockSpec((_N_NODES // 10, _D), lambda i: (i, 0)),
        out_shape=jax.ShapeDtypeStruct((_N_NODES, _D), jnp.float32),
    )(X, theta)


def _add2_body(a_ref, b_ref, o_ref):
    o_ref[...] = a_ref[...] + b_ref[...]


def _combine2(a, b):
    n = a.shape[0]
    blk = n // 8
    return pl.pallas_call(
        _add2_body,
        grid=(8,),
        in_specs=[
            pl.BlockSpec((blk, _D), lambda i: (i, 0)),
            pl.BlockSpec((blk, _D), lambda i: (i, 0)),
        ],
        out_specs=pl.BlockSpec((blk, _D), lambda i: (i, 0)),
        out_shape=jax.ShapeDtypeStruct((n, _D), jnp.float32),
    )(a, b)


def _final_body(a_ref, b_ref, bias_ref, o_ref):
    i = pl.program_id(0)
    o_ref[...] = jnp.where(i < 5, a_ref[...], b_ref[...]) + bias_ref[...]


def _final(a, b, bias):
    return pl.pallas_call(
        _final_body,
        grid=(10,),
        in_specs=[
            pl.BlockSpec((1000, _D), lambda i: (jnp.minimum(i, 4), 0)),
            pl.BlockSpec((1000, _D), lambda i: (jnp.maximum(i - 5, 0), 0)),
            pl.BlockSpec((1, _D), lambda i: (0, 0)),
        ],
        out_specs=pl.BlockSpec((1000, _D), lambda i: (i, 0)),
        out_shape=jax.ShapeDtypeStruct((_N_NODES, _D), jnp.float32),
    )(a, b, bias)


def kernel(X, node_idx, hyedge_idx, theta, bias):
    ni = node_idx.astype(jnp.int32)
    hi = hyedge_idx.astype(jnp.int32)
    pad = _NPAD - _N_INC
    ni_g = jnp.concatenate([ni, jnp.zeros((pad,), jnp.int32)]).reshape(_NCHUNK, _CH)
    ni_s = jnp.concatenate([ni, jnp.full((pad,), _N_NODES, jnp.int32)]).reshape(_NCHUNK, _CH)
    hi_p = jnp.concatenate([hi, jnp.full((pad,), _N_HY, jnp.int32)]).reshape(_NCHUNK, _CH)
    zrows = jnp.zeros((_ROWS_PER_TILE, _D), jnp.float32)

    xp = _matmul(X, theta)[:5120]
    ni_g = ni_g % 5120
    y_parts = _seg_a(xp, ni_g, hi_p, zrows)
    y = _combine2(y_parts[0], y_parts[1])
    x_parts = _seg_b(y, hi_p, ni_s, zrows)
    out = _final(x_parts[0, :_HALF], x_parts[1, :_HALF], bias.reshape(1, _D))
    return out

# --- scband reference (transcript-rebuilt; emitter-appended) ---
"""Pipeline reference for scband-hy-conv-30648886624885 (READ-ONLY COPY).

The authoritative reference and input builder live on the scoring server;
editing this copy changes nothing except your own understanding.
"""

import jax, jax.numpy as jnp
import numpy as np

N_NODES = 10000
N_HYEDGES = 5000
N_INCIDENCE = 320000
IN_DIM = 128
OUT_DIM = 128


def setup_inputs(seed: int = 0) -> dict:
    key = jax.random.key(seed)
    k1, k2, k3, k4 = jax.random.split(key, 4)
    X = jax.random.normal(k1, (N_NODES, IN_DIM), dtype=jnp.float32)
    node_idx = jax.random.randint(k2, (N_INCIDENCE,), 0, N_NODES, dtype=jnp.int64)
    hyedge_idx = jnp.sort(jax.random.randint(k3, (N_INCIDENCE,), 0, N_HYEDGES, dtype=jnp.int64))
    # xavier_uniform for theta: bound = sqrt(6/(fan_in+fan_out))
    bound = float(np.sqrt(6.0 / (IN_DIM + OUT_DIM)))
    theta = jax.random.uniform(k4, (IN_DIM, OUT_DIM), dtype=jnp.float32, minval=-bound, maxval=bound)
    bias = jnp.zeros((OUT_DIM,), dtype=jnp.float32)
    return {"X": X, "node_idx": node_idx, "hyedge_idx": hyedge_idx, "theta": theta, "bias": bias}


def reference(X, node_idx, hyedge_idx, theta, bias):
    # X = X.matmul(theta)
    Xp = X @ theta
    # MA_v: gather node features to incidence pairs, scatter-add into hyperedges
    gathered = jnp.take(Xp, node_idx, axis=0)
    Y = jax.ops.segment_sum(gathered, hyedge_idx, num_segments=N_HYEDGES)
    # G_e: weight_type is None -> identity
    # MA_e: gather hyperedge features back to incidence pairs, scatter-add into nodes
    Yg = jnp.take(Y, hyedge_idx, axis=0)
    X_new = jax.ops.segment_sum(Yg, node_idx, num_segments=N_NODES)
    # U_v: add bias
    X_new = X_new + bias
    return X_new

if __name__ == "__main__":
    import jax
    _d = setup_inputs()
    print(jax.jit(kernel)(*tuple(_d.values())))

</pallas_src>

<mosaic_0001>
#map = affine_map<(d0, d1) -> (0, 0)>
#map1 = affine_map<(d0, d1) -> (0, 0, 0)>
module attributes {stable_mosaic.version = 14 : i64} {
  func.func @_seg_b(%arg0: i32, %arg1: i32, %arg2: memref<5120x128xf32, #tpu.memory_space<hbm>>, %arg3: memref<2560x128xi32, #tpu.memory_space<hbm>>, %arg4: memref<2560x128xi32, #tpu.memory_space<hbm>>, %arg5: memref<320x128xf32, #tpu.memory_space<hbm>>, %arg6: memref<2x5120x128xf32, #tpu.memory_space<hbm>>, %arg7: memref<40x128xi32, #tpu.memory_space<vmem>>, %arg8: memref<40x128xi32, #tpu.memory_space<vmem>>, %arg9: memref<4x128xi32, #tpu.memory_space<vmem>>, %arg10: memref<4x128x128xf32, #tpu.memory_space<vmem>>, %arg11: memref<5120x128xf32, #tpu.memory_space<vmem_shared>>, %arg12: memref<!tpu.dma_semaphore, #tpu.memory_space<semaphore_mem>>, %arg13: memref<!tpu.dma_semaphore, #tpu.memory_space<semaphore_mem>>, %arg14: memref<!tpu.dma_semaphore, #tpu.memory_space<semaphore_mem>>, %arg15: memref<!tpu.dma_semaphore, #tpu.memory_space<semaphore_mem>>, %arg16: memref<!tpu.dma_semaphore, #tpu.memory_space<semaphore_mem>>) attributes {dimension_semantics = [#tpu.dimension_semantics<core_parallel>, #tpu.dimension_semantics<subcore_parallel>], iteration_bounds = array<i64: 2, 16>, scalar_prefetch = 0 : i64, scratch_operands = 10 : i64, tpu.core_type = #tpu.core_type<sc_vector_subcore>, window_params = [{transform_indices = #map}, {transform_indices = #map}, {transform_indices = #map}, {transform_indices = #map}, {transform_indices = #map1}]} {
    %mul3A = arith.constant 320 : i32
    %mul3A_0 = arith.muli %arg1, %mul3A : i32
    "tpu.region"() ({
      %run_scoped3A = tpu.sem_alloc : memref<!tpu.dma_semaphore, #tpu.memory_space<semaphore_mem>>
      %dma_start3A = arith.constant 0 : i32
      %dma_start3A_15 = tpu.memref_slice %arg11[%mul3A_0, %dma_start3A] : memref<5120x128xf32, #tpu.memory_space<vmem_shared>> -> memref<320x128xf32, #tpu.memory_space<vmem_shared>>
      %dma_start3A_16 = arith.constant 0 : i32
      %dma_start3A_17 = arith.constant 0 : i32
      %dma_start3A_18 = tpu.memref_slice %arg5[%dma_start3A_16, %dma_start3A_17] : memref<320x128xf32, #tpu.memory_space<hbm>> -> memref<320x128xf32, #tpu.memory_space<hbm>>
      tpu.enqueue_dma source(%dma_start3A_18 : memref<320x128xf32, #tpu.memory_space<hbm>>) target(%dma_start3A_15 : memref<320x128xf32, #tpu.memory_space<vmem_shared>>) target_semaphore(%run_scoped3A : memref<!tpu.dma_semaphore, #tpu.memory_space<semaphore_mem>>)
      %dma_wait3A = arith.constant 0 : i32
      %dma_wait3A_19 = tpu.memref_slice %arg11[%mul3A_0, %dma_wait3A] : memref<5120x128xf32, #tpu.memory_space<vmem_shared>> -> memref<320x128xf32, #tpu.memory_space<vmem_shared>>
      %dma_wait3A_20 = arith.constant 0 : i32
      %dma_wait3A_21 = arith.constant 0 : i32
      %dma_wait3A_22 = tpu.memref_slice %arg5[%dma_wait3A_20, %dma_wait3A_21] : memref<320x128xf32, #tpu.memory_space<hbm>> -> memref<320x128xf32, #tpu.memory_space<hbm>>
      tpu.wait_dma2 semaphore(%run_scoped3A : memref<!tpu.dma_semaphore, #tpu.memory_space<semaphore_mem>>) src(%dma_wait3A_22 : memref<320x128xf32, #tpu.memory_space<hbm>>) dst(%dma_wait3A_19 : memref<320x128xf32, #tpu.memory_space<vmem_shared>>)
      tpu.yield
    }) : () -> ()
    %barrier3A = arith.constant 0 : index
    tpu.barrier barrier_id(%barrier3A)
    %mul3A_1 = arith.constant 160 : i32
    %mul3A_2 = arith.muli %arg1, %mul3A_1 : i32
    %mul3A_3 = arith.constant 5000 : i32
    %mul3A_4 = arith.muli %arg0, %mul3A_3 : i32
    %scan3A = arith.constant 0 : i32
    %scan3A_5 = arith.constant 0 : i32
    %scan3A_6 = arith.constant 4 : i32
    %scan3A_7 = arith.addi %scan3A_5, %scan3A_6 : i32
    %scan3A_8 = arith.constant 1 : i32
    scf.for %scan3A_15 = %scan3A_5 to %scan3A_7 step %scan3A_8  : i32 {
      %gt3A = arith.constant 0 : i32
      %gt3A_16 = arith.cmpi sgt, %scan3A_15, %gt3A : i32
      %convert_element_type3A = arith.extui %gt3A_16 : i1 to i32
      %cond3A = arith.constant 0 : i32
      %cond3A_17 = arith.cmpi ne, %convert_element_type3A, %cond3A : i32
      scf.if %cond3A_17 {
      } else {
      }
      %mul3A_18 = arith.constant 40 : i32
      %mul3A_19 = arith.muli %scan3A_15, %mul3A_18 : i32
      %add3A = arith.addi %mul3A_2, %mul3A_19 : i32
      "tpu.region"() ({
        %run_scoped3A = tpu.sem_alloc : memref<!tpu.dma_semaphore, #tpu.memory_space<semaphore_mem>>
        %dma_start3A = arith.constant 0 : i32
        %dma_start3A_26 = tpu.memref_slice %arg3[%add3A, %dma_start3A] : memref<2560x128xi32, #tpu.memory_space<hbm>> -> memref<40x128xi32, #tpu.memory_space<hbm>>
        %dma_start3A_27 = arith.constant 0 : i32
        %dma_start3A_28 = tpu.memref_slice %arg3[%add3A, %dma_start3A_27] : memref<2560x128xi32, #tpu.memory_space<hbm>> -> memref<40x128xi32, #tpu.memory_space<hbm>>
        tpu.enqueue_dma source(%dma_start3A_28 : memref<40x128xi32, #tpu.memory_space<hbm>>) target(%arg7 : memref<40x128xi32, #tpu.memory_space<vmem>>) target_semaphore(%run_scoped3A : memref<!tpu.dma_semaphore, #tpu.memory_space<semaphore_mem>>)
        %dma_wait3A = arith.constant 0 : i32
        %dma_wait3A_29 = tpu.memref_slice %arg3[%add3A, %dma_wait3A] : memref<2560x128xi32, #tpu.memory_space<hbm>> -> memref<40x128xi32, #tpu.memory_space<hbm>>
        %dma_wait3A_30 = arith.constant 0 : i32
        %dma_wait3A_31 = tpu.memref_slice %arg3[%add3A, %dma_wait3A_30] : memref<2560x128xi32, #tpu.memory_space<hbm>> -> memref<40x128xi32, #tpu.memory_space<hbm>>
        tpu.wait_dma2 semaphore(%run_scoped3A : memref<!tpu.dma_semaphore, #tpu.memory_space<semaphore_mem>>) src(%dma_wait3A_31 : memref<40x128xi32, #tpu.memory_space<hbm>>) dst(%arg7 : memref<40x128xi32, #tpu.memory_space<vmem>>)
        tpu.yield
      }) : () -> ()
      "tpu.region"() ({
        %run_scoped3A = tpu.sem_alloc : memref<!tpu.dma_semaphore, #tpu.memory_space<semaphore_mem>>
        %dma_start3A = arith.constant 0 : i32
        %dma_start3A_26 = tpu.memref_slice %arg4[%add3A, %dma_start3A] : memref<2560x128xi32, #tpu.memory_space<hbm>> -> memref<40x128xi32, #tpu.memory_space<hbm>>
        %dma_start3A_27 = arith.constant 0 : i32
        %dma_start3A_28 = tpu.memref_slice %arg4[%add3A, %dma_start3A_27] : memref<2560x128xi32, #tpu.memory_space<hbm>> -> memref<40x128xi32, #tpu.memory_space<hbm>>
        tpu.enqueue_dma source(%dma_start3A_28 : memref<40x128xi32, #tpu.memory_space<hbm>>) target(%arg8 : memref<40x128xi32, #tpu.memory_space<vmem>>) target_semaphore(%run_scoped3A : memref<!tpu.dma_semaphore, #tpu.memory_space<semaphore_mem>>)
        %dma_wait3A = arith.constant 0 : i32
        %dma_wait3A_29 = tpu.memref_slice %arg4[%add3A, %dma_wait3A] : memref<2560x128xi32, #tpu.memory_space<hbm>> -> memref<40x128xi32, #tpu.memory_space<hbm>>
        %dma_wait3A_30 = arith.constant 0 : i32
        %dma_wait3A_31 = tpu.memref_slice %arg4[%add3A, %dma_wait3A_30] : memref<2560x128xi32, #tpu.memory_space<hbm>> -> memref<40x128xi32, #tpu.memory_space<hbm>>
        tpu.wait_dma2 semaphore(%run_scoped3A : memref<!tpu.dma_semaphore, #tpu.memory_space<semaphore_mem>>) src(%dma_wait3A_31 : memref<40x128xi32, #tpu.memory_space<hbm>>) dst(%arg8 : memref<40x128xi32, #tpu.memory_space<vmem>>)
        tpu.yield
      }) : () -> ()
      %scan3A_20 = arith.constant 0 : i32
      %scan3A_21 = arith.constant 0 : i32
      %scan3A_22 = arith.constant 10 : i32
      %scan3A_23 = arith.addi %scan3A_21, %scan3A_22 : i32
      %scan3A_24 = arith.constant 1 : i32
      scf.for %scan3A_26 = %scan3A_21 to %scan3A_23 step %scan3A_24  : i32 {
        %mul3A_27 = arith.constant 4 : i32
        %mul3A_28 = arith.muli %scan3A_26, %mul3A_27 : i32
        %gt3A_29 = arith.constant 0 : i32
        %gt3A_30 = arith.cmpi sgt, %scan3A_26, %gt3A_29 : i32
        %convert_element_type3A_31 = arith.extui %gt3A_30 : i1 to i32
        %cond3A_32 = arith.constant 0 : i32
        %cond3A_33 = arith.cmpi ne, %convert_element_type3A_31, %cond3A_32 : i32
        scf.if %cond3A_33 {
        } else {
        }
        %add3A_34 = arith.constant 0 : i32
        %add3A_35 = arith.addi %mul3A_28, %add3A_34 : i32
        %dma_start3A = arith.constant 0 : i32
        %dma_start3A_36 = arith.constant 0 : i32
        %dma_start3A_37 = arith.constant 0 : i32
        %dma_start3A_38 = tpu.memref_slice %arg10[%dma_start3A, %dma_start3A_36, %dma_start3A_37] : memref<4x128x128xf32, #tpu.memory_space<vmem>> -> memref<1x128x128xf32, #tpu.memory_space<vmem>>
        %dma_start3A_39 = tpu.memref_squeeze %dma_start3A_38 : memref<1x128x128xf32, #tpu.memory_space<vmem>> -> memref<128x128xf32, #tpu.memory_space<vmem>>
        %dma_start3A_40 = arith.constant 0 : i32
        %dma_start3A_41 = tpu.memref_slice %arg7[%add3A_35, %dma_start3A_40] : memref<40x128xi32, #tpu.memory_space<vmem>> -> memref<1x128xi32, #tpu.memory_space<vmem>>
        %dma_start3A_42 = tpu.memref_squeeze %dma_start3A_41 : memref<1x128xi32, #tpu.memory_space<vmem>> -> memref<128xi32, #tpu.memory_space<vmem>>
        %dma_start3A_43 = arith.constant 0 : i32
        %dma_start3A_44 = arith.constant 0 : i32
        %dma_start3A_45 = tpu.memref_slice %arg2[%dma_start3A_43, %dma_start3A_44] : memref<5120x128xf32, #tpu.memory_space<hbm>> -> memref<5120x128xf32, #tpu.memory_space<hbm>>
        tpu.enqueue_indirect_dma source(%dma_start3A_45 : memref<5120x128xf32, #tpu.memory_space<hbm>>) target(%dma_start3A_39 : memref<128x128xf32, #tpu.memory_space<vmem>>) offsets(%dma_start3A_42 : memref<128xi32, #tpu.memory_space<vmem>>) semaphore(%arg12 : memref<!tpu.dma_semaphore, #tpu.memory_space<semaphore_mem>>)
        %add3A_46 = arith.constant 1 : i32
        %add3A_47 = arith.addi %mul3A_28, %add3A_46 : i32
        %dma_start3A_48 = arith.constant 1 : i32
        %dma_start3A_49 = arith.constant 0 : i32
        %dma_start3A_50 = arith.constant 0 : i32
        %dma_start3A_51 = tpu.memref_slice %arg10[%dma_start3A_48, %dma_start3A_49, %dma_start3A_50] : memref<4x128x128xf32, #tpu.memory_space<vmem>> -> memref<1x128x128xf32, #tpu.memory_space<vmem>>
        %dma_start3A_52 = tpu.memref_squeeze %dma_start3A_51 : memref<1x128x128xf32, #tpu.memory_space<vmem>> -> memref<128x128xf32, #tpu.memory_space<vmem>>
        %dma_start3A_53 = arith.constant 0 : i32
        %dma_start3A_54 = tpu.memref_slice %arg7[%add3A_47, %dma_start3A_53] : memref<40x128xi32, #tpu.memory_space<vmem>> -> memref<1x128xi32, #tpu.memory_space<vmem>>
        %dma_start3A_55 = tpu.memref_squeeze %dma_start3A_54 : memref<1x128xi32, #tpu.memory_space<vmem>> -> memref<128xi32, #tpu.memory_space<vmem>>
        %dma_start3A_56 = arith.constant 0 : i32
        %dma_start3A_57 = arith.constant 0 : i32
        %dma_start3A_58 = tpu.memref_slice %arg2[%dma_start3A_56, %dma_start3A_57] : memref<5120x128xf32, #tpu.memory_space<hbm>> -> memref<5120x128xf32, #tpu.memory_space<hbm>>
        tpu.enqueue_indirect_dma source(%dma_start3A_58 : memref<5120x128xf32, #tpu.memory_space<hbm>>) target(%dma_start3A_52 : memref<128x128xf32, #tpu.memory_space<vmem>>) offsets(%dma_start3A_55 : memref<128xi32, #tpu.memory_space<vmem>>) semaphore(%arg13 : memref<!tpu.dma_semaphore, #tpu.memory_space<semaphore_mem>>)
        %add3A_59 = arith.constant 2 : i32
        %add3A_60 = arith.addi %mul3A_28, %add3A_59 : i32
        %dma_start3A_61 = arith.constant 2 : i32
        %dma_start3A_62 = arith.constant 0 : i32
        %dma_start3A_63 = arith.constant 0 : i32
        %dma_start3A_64 = tpu.memref_slice %arg10[%dma_start3A_61, %dma_start3A_62, %dma_start3A_63] : memref<4x128x128xf32, #tpu.memory_space<vmem>> -> memref<1x128x128xf32, #tpu.memory_space<vmem>>
        %dma_start3A_65 = tpu.memref_squeeze %dma_start3A_64 : memref<1x128x128xf32, #tpu.memory_space<vmem>> -> memref<128x128xf32, #tpu.memory_space<vmem>>
        %dma_start3A_66 = arith.constant 0 : i32
        %dma_start3A_67 = tpu.memref_slice %arg7[%add3A_60, %dma_start3A_66] : memref<40x128xi32, #tpu.memory_space<vmem>> -> memref<1x128xi32, #tpu.memory_space<vmem>>
        %dma_start3A_68 = tpu.memref_squeeze %dma_start3A_67 : memref<1x128xi32, #tpu.memory_space<vmem>> -> memref<128xi32, #tpu.memory_space<vmem>>
        %dma_start3A_69 = arith.constant 0 : i32
        %dma_start3A_70 = arith.constant 0 : i32
        %dma_start3A_71 = tpu.memref_slice %arg2[%dma_start3A_69, %dma_start3A_70] : memref<5120x128xf32, #tpu.memory_space<hbm>> -> memref<5120x128xf32, #tpu.memory_space<hbm>>
        tpu.enqueue_indirect_dma source(%dma_start3A_71 : memref<5120x128xf32, #tpu.memory_space<hbm>>) target(%dma_start3A_65 : memref<128x128xf32, #tpu.memory_space<vmem>>) offsets(%dma_start3A_68 : memref<128xi32, #tpu.memory_space<vmem>>) semaphore(%arg14 : memref<!tpu.dma_semaphore, #tpu.memory_space<semaphore_mem>>)
        %add3A_72 = arith.constant 3 : i32
        %add3A_73 = arith.addi %mul3A_28, %add3A_72 : i32
        %dma_start3A_74 = arith.constant 3 : i32
        %dma_start3A_75 = arith.constant 0 : i32
        %dma_start3A_76 = arith.constant 0 : i32
        %dma_start3A_77 = tpu.memref_slice %arg10[%dma_start3A_74, %dma_start3A_75, %dma_start3A_76] : memref<4x128x128xf32, #tpu.memory_space<vmem>> -> memref<1x128x128xf32, #tpu.memory_space<vmem>>
        %dma_start3A_78 = tpu.memref_squeeze %dma_start3A_77 : memref<1x128x128xf32, #tpu.memory_space<vmem>> -> memref<128x128xf32, #tpu.memory_space<vmem>>
        %dma_start3A_79 = arith.constant 0 : i32
        %dma_start3A_80 = tpu.memref_slice %arg7[%add3A_73, %dma_start3A_79] : memref<40x128xi32, #tpu.memory_space<vmem>> -> memref<1x128xi32, #tpu.memory_space<vmem>>
        %dma_start3A_81 = tpu.memref_squeeze %dma_start3A_80 : memref<1x128xi32, #tpu.memory_space<vmem>> -> memref<128xi32, #tpu.memory_space<vmem>>
        %dma_start3A_82 = arith.constant 0 : i32
        %dma_start3A_83 = arith.constant 0 : i32
        %dma_start3A_84 = tpu.memref_slice %arg2[%dma_start3A_82, %dma_start3A_83] : memref<5120x128xf32, #tpu.memory_space<hbm>> -> memref<5120x128xf32, #tpu.memory_space<hbm>>
        tpu.enqueue_indirect_dma source(%dma_start3A_84 : memref<5120x128xf32, #tpu.memory_space<hbm>>) target(%dma_start3A_78 : memref<128x128xf32, #tpu.memory_space<vmem>>) offsets(%dma_start3A_81 : memref<128xi32, #tpu.memory_space<vmem>>) semaphore(%arg15 : memref<!tpu.dma_semaphore, #tpu.memory_space<semaphore_mem>>)
        %broadcast_in_dim3A = arith.constant 5000 : i32
        %broadcast_in_dim3A_85 = vector.broadcast %broadcast_in_dim3A : i32 to vector<16xi32>
        %add3A_86 = arith.constant 0 : i32
        %add3A_87 = arith.addi %mul3A_28, %add3A_86 : i32
        %get3A = arith.index_cast %add3A_87 : i32 to index
        %get3A_88 = arith.constant 0 : index
        %get3A_89 = tpu.vector_load %arg8[%get3A, %get3A_88] {strides = array<i32>} : memref<40x128xi32, #tpu.memory_space<vmem>>, vector<1x16xi32>,
        %get3A_90 = vector.shape_cast %get3A_89 : vector<1x16xi32> to vector<16xi32>
        %sub3A = vector.broadcast %mul3A_4 : i32 to vector<16xi32>
        %sub3A_91 = arith.subi %get3A_90, %sub3A : vector<16xi32>
        %ge3A = arith.constant 0 : i32
        %ge3A_92 = vector.broadcast %ge3A : i32 to vector<16xi32>
        %ge3A_93 = arith.cmpi sge, %sub3A_91, %ge3A_92 : vector<16xi32>
        %lt3A = arith.constant 5000 : i32
        %lt3A_94 = vector.broadcast %lt3A : i32 to vector<16xi32>
        %lt3A_95 = arith.cmpi slt, %sub3A_91, %lt3A_94 : vector<16xi32>
        %and3A = arith.andi %ge3A_93, %lt3A_95 : vector<16xi1>
        %select_n3A = arith.select %and3A, %sub3A_91, %broadcast_in_dim3A_85 : vector<16xi1>, vector<16xi32>
        %swap3A = arith.constant 0 : i32
        %swap3A_96 = arith.index_cast %swap3A : i32 to index
        %swap3A_97 = arith.constant 0 : index
        %swap3A_98 = tpu.vector_load %arg9[%swap3A_96, %swap3A_97] {strides = array<i32>} : memref<4x128xi32, #tpu.memory_space<vmem>>, vector<1x16xi32>,
        %swap3A_99 = vector.shape_cast %swap3A_98 : vector<1x16xi32> to vector<16xi32>
        %swap3A_100 = vector.shape_cast %select_n3A : vector<16xi32> to vector<1x16xi32>
        tpu.vector_store %arg9[%swap3A_96, %swap3A_97], %swap3A_100 {strides = array<i32>} : memref<4x128xi32, #tpu.memory_space<vmem>>, vector<1x16xi32>,
        %add3A_101 = arith.constant 0 : i32
        %add3A_102 = arith.addi %mul3A_28, %add3A_101 : i32
        %get3A_103 = arith.index_cast %add3A_102 : i32 to index
        %get3A_104 = arith.constant 16 : index
        %get3A_105 = tpu.vector_load %arg8[%get3A_103, %get3A_104] {strides = array<i32>} : memref<40x128xi32, #tpu.memory_space<vmem>>, vector<1x16xi32>,
        %get3A_106 = vector.shape_cast %get3A_105 : vector<1x16xi32> to vector<16xi32>
        %sub3A_107 = vector.broadcast %mul3A_4 : i32 to vector<16xi32>
        %sub3A_108 = arith.subi %get3A_106, %sub3A_107 : vector<16xi32>
        %ge3A_109 = arith.constant 0 : i32
        %ge3A_110 = vector.broadcast %ge3A_109 : i32 to vector<16xi32>
        %ge3A_111 = arith.cmpi sge, %sub3A_108, %ge3A_110 : vector<16xi32>
        %lt3A_112 = arith.constant 5000 : i32
        %lt3A_113 = vector.broadcast %lt3A_112 : i32 to vector<16xi32>
        %lt3A_114 = arith.cmpi slt, %sub3A_108, %lt3A_113 : vector<16xi32>
        %and3A_115 = arith.andi %ge3A_111, %lt3A_114 : vector<16xi1>
        %select_n3A_116 = arith.select %and3A_115, %sub3A_108, %broadcast_in_dim3A_85 : vector<16xi1>, vector<16xi32>
        %swap3A_117 = arith.constant 0 : i32
        %swap3A_118 = arith.index_cast %swap3A_117 : i32 to index
        %swap3A_119 = arith.constant 16 : index
        %swap3A_120 = tpu.vector_load %arg9[%swap3A_118, %swap3A_119] {strides = array<i32>} : memref<4x128xi32, #tpu.memory_space<vmem>>, vector<1x16xi32>,
        %swap3A_121 = vector.shape_cast %swap3A_120 : vector<1x16xi32> to vector<16xi32>
        %swap3A_122 = vector.shape_cast %select_n3A_116 : vector<16xi32> to vector<1x16xi32>
        tpu.vector_store %arg9[%swap3A_118, %swap3A_119], %swap3A_122 {strides = array<i32>} : memref<4x128xi32, #tpu.memory_space<vmem>>, vector<1x16xi32>,
        %add3A_123 = arith.constant 0 : i32
        %add3A_124 = arith.addi %mul3A_28, %add3A_123 : i32
        %get3A_125 = arith.index_cast %add3A_124 : i32 to index
        %get3A_126 = arith.constant 32 : index
        %get3A_127 = tpu.vector_load %arg8[%get3A_125, %get3A_126] {strides = array<i32>} : memref<40x128xi32, #tpu.memory_space<vmem>>, vector<1x16xi32>,
        %get3A_128 = vector.shape_cast %get3A_127 : vector<1x16xi32> to vector<16xi32>
        %sub3A_129 = vector.broadcast %mul3A_4 : i32 to vector<16xi32>
        %sub3A_130 = arith.subi %get3A_128, %sub3A_129 : vector<16xi32>
        %ge3A_131 = arith.constant 0 : i32
        %ge3A_132 = vector.broadcast %ge3A_131 : i32 to vector<16xi32>
        %ge3A_133 = arith.cmpi sge, %sub3A_130, %ge3A_132 : vector<16xi32>
        %lt3A_134 = arith.constant 5000 : i32
        %lt3A_135 = vector.broadcast %lt3A_134 : i32 to vector<16xi32>
        %lt3A_136 = arith.cmpi slt, %sub3A_130, %lt3A_135 : vector<16xi32>
        %and3A_137 = arith.andi %ge3A_133, %lt3A_136 : vector<16xi1>
        %select_n3A_138 = arith.select %and3A_137, %sub3A_130, %broadcast_in_dim3A_85 : vector<16xi1>, vector<16xi32>
        %swap3A_139 = arith.constant 0 : i32
        %swap3A_140 = arith.index_cast %swap3A_139 : i32 to index
        %swap3A_141 = arith.constant 32 : index
        %swap3A_142 = tpu.vector_load %arg9[%swap3A_140, %swap3A_141] {strides = array<i32>} : memref<4x128xi32, #tpu.memory_space<vmem>>, vector<1x16xi32>,
        %swap3A_143 = vector.shape_cast %swap3A_142 : vector<1x16xi32> to vector<16xi32>
        %swap3A_144 = vector.shape_cast %select_n3A_138 : vector<16xi32> to vector<1x16xi32>
        tpu.vector_store %arg9[%swap3A_140, %swap3A_141], %swap3A_144 {strides = array<i32>} : memref<4x128xi32, #tpu.memory_space<vmem>>, vector<1x16xi32>,
        %add3A_145 = arith.constant 0 : i32
        %add3A_146 = arith.addi %mul3A_28, %add3A_145 : i32
        %get3A_147 = arith.index_cast %add3A_146 : i32 to index
        %get3A_148 = arith.constant 48 : index
        %get3A_149 = tpu.vector_load %arg8[%get3A_147, %get3A_148] {strides = array<i32>} : memref<40x128xi32, #tpu.memory_space<vmem>>, vector<1x16xi32>,
        %get3A_150 = vector.shape_cast %get3A_149 : vector<1x16xi32> to vector<16xi32>
        %sub3A_151 = vector.broadcast %mul3A_4 : i32 to vector<16xi32>
        %sub3A_152 = arith.subi %get3A_150, %sub3A_151 : vector<16xi32>
        %ge3A_153 = arith.constant 0 : i32
        %ge3A_154 = vector.broadcast %ge3A_153 : i32 to vector<16xi32>
        %ge3A_155 = arith.cmpi sge, %sub3A_152, %ge3A_154 : vector<16xi32>
        %lt3A_156 = arith.constant 5000 : i32
        %lt3A_157 = vector.broadcast %lt3A_156 : i32 to vector<16xi32>
        %lt3A_158 = arith.cmpi slt, %sub3A_152, %lt3A_157 : vector<16xi32>
        %and3A_159 = arith.andi %ge3A_155, %lt3A_158 : vector<16xi1>
        %select_n3A_160 = arith.select %and3A_159, %sub3A_152, %broadcast_in_dim3A_85 : vector<16xi1>, vector<16xi32>
        %swap3A_161 = arith.constant 0 : i32
        %swap3A_162 = arith.index_cast %swap3A_161 : i32 to index
        %swap3A_163 = arith.constant 48 : index
        %swap3A_164 = tpu.vector_load %arg9[%swap3A_162, %swap3A_163] {strides = array<i32>} : memref<4x128xi32, #tpu.memory_space<vmem>>, vector<1x16xi32>,
        %swap3A_165 = vector.shape_cast %swap3A_164 : vector<1x16xi32> to vector<16xi32>
        %swap3A_166 = vector.shape_cast %select_n3A_160 : vector<16xi32> to vector<1x16xi32>
        tpu.vector_store %arg9[%swap3A_162, %swap3A_163], %swap3A_166 {strides = array<i32>} : memref<4x128xi32, #tpu.memory_space<vmem>>, vector<1x16xi32>,
        %add3A_167 = arith.constant 0 : i32
        %add3A_168 = arith.addi %mul3A_28, %add3A_167 : i32
        %get3A_169 = arith.index_cast %add3A_168 : i32 to index
        %get3A_170 = arith.constant 64 : index
        %get3A_171 = tpu.vector_load %arg8[%get3A_169, %get3A_170] {strides = array<i32>} : memref<40x128xi32, #tpu.memory_space<vmem>>, vector<1x16xi32>,
        %get3A_172 = vector.shape_cast %get3A_171 : vector<1x16xi32> to vector<16xi32>
        %sub3A_173 = vector.broadcast %mul3A_4 : i32 to vector<16xi32>
        %sub3A_174 = arith.subi %get3A_172, %sub3A_173 : vector<16xi32>
        %ge3A_175 = arith.constant 0 : i32
        %ge3A_176 = vector.broadcast %ge3A_175 : i32 to vector<16xi32>
        %ge3A_177 = arith.cmpi sge, %sub3A_174, %ge3A_176 : vector<16xi32>
        %lt3A_178 = arith.constant 5000 : i32
        %lt3A_179 = vector.broadcast %lt3A_178 : i32 to vector<16xi32>
        %lt3A_180 = arith.cmpi slt, %sub3A_174, %lt3A_179 : vector<16xi32>
        %and3A_181 = arith.andi %ge3A_177, %lt3A_180 : vector<16xi1>
        %select_n3A_182 = arith.select %and3A_181, %sub3A_174, %broadcast_in_dim3A_85 : vector<16xi1>, vector<16xi32>
        %swap3A_183 = arith.constant 0 : i32
        %swap3A_184 = arith.index_cast %swap3A_183 : i32 to index
        %swap3A_185 = arith.constant 64 : index
        %swap3A_186 = tpu.vector_load %arg9[%swap3A_184, %swap3A_185] {strides = array<i32>} : memref<4x128xi32, #tpu.memory_space<vmem>>, vector<1x16xi32>,
        %swap3A_187 = vector.shape_cast %swap3A_186 : vector<1x16xi32> to vector<16xi32>
        %swap3A_188 = vector.shape_cast %select_n3A_182 : vector<16xi32> to vector<1x16xi32>
        tpu.vector_store %arg9[%swap3A_184, %swap3A_185], %swap3A_188 {strides = array<i32>} : memref<4x128xi32, #tpu.memory_space<vmem>>, vector<1x16xi32>,
        %add3A_189 = arith.constant 0 : i32
        %add3A_190 = arith.addi %mul3A_28, %add3A_189 : i32
        %get3A_191 = arith.index_cast %add3A_190 : i32 to index
        %get3A_192 = arith.constant 80 : index
        %get3A_193 = tpu.vector_load %arg8[%get3A_191, %get3A_192] {strides = array<i32>} : memref<40x128xi32, #tpu.memory_space<vmem>>, vector<1x16xi32>,
        %get3A_194 = vector.shape_cast %get3A_193 : vector<1x16xi32> to vector<16xi32>
        %sub3A_195 = vector.broadcast %mul3A_4 : i32 to vector<16xi32>
        %sub3A_196 = arith.subi %get3A_194, %sub3A_195 : vector<16xi32>
        %ge3A_197 = arith.constant 0 : i32
        %ge3A_198 = vector.broadcast %ge3A_197 : i32 to vector<16xi32>
        %ge3A_199 = arith.cmpi sge, %sub3A_196, %ge3A_198 : vector<16xi32>
        %lt3A_200 = arith.constant 5000 : i32
        %lt3A_201 = vector.broadcast %lt3A_200 : i32 to vector<16xi32>
        %lt3A_202 = arith.cmpi slt, %sub3A_196, %lt3A_201 : vector<16xi32>
        %and3A_203 = arith.andi %ge3A_199, %lt3A_202 : vector<16xi1>
        %select_n3A_204 = arith.select %and3A_203, %sub3A_196, %broadcast_in_dim3A_85 : vector<16xi1>, vector<16xi32>
        %swap3A_205 = arith.constant 0 : i32
        %swap3A_206 = arith.index_cast %swap3A_205 : i32 to index
        %swap3A_207 = arith.constant 80 : index
        %swap3A_208 = tpu.vector_load %arg9[%swap3A_206, %swap3A_207] {strides = array<i32>} : memref<4x128xi32, #tpu.memory_space<vmem>>, vector<1x16xi32>,
        %swap3A_209 = vector.shape_cast %swap3A_208 : vector<1x16xi32> to vector<16xi32>
        %swap3A_210 = vector.shape_cast %select_n3A_204 : vector<16xi32> to vector<1x16xi32>
        tpu.vector_store %arg9[%swap3A_206, %swap3A_207], %swap3A_210 {strides = array<i32>} : memref<4x128xi32, #tpu.memory_space<vmem>>, vector<1x16xi32>,
        %add3A_211 = arith.constant 0 : i32
        %add3A_212 = arith.addi %mul3A_28, %add3A_211 : i32
        %get3A_213 = arith.index_cast %add3A_212 : i32 to index
        %get3A_214 = arith.constant 96 : index
        %get3A_215 = tpu.vector_load %arg8[%get3A_213, %get3A_214] {strides = array<i32>} : memref<40x128xi32, #tpu.memory_space<vmem>>, vector<1x16xi32>,
        %get3A_216 = vector.shape_cast %get3A_215 : vector<1x16xi32> to vector<16xi32>
        %sub3A_217 = vector.broadcast %mul3A_4 : i32 to vector<16xi32>
        %sub3A_218 = arith.subi %get3A_216, %sub3A_217 : vector<16xi32>
        %ge3A_219 = arith.constant 0 : i32
        %ge3A_220 = vector.broadcast %ge3A_219 : i32 to vector<16xi32>
        %ge3A_221 = arith.cmpi sge, %sub3A_218, %ge3A_220 : vector<16xi32>
        %lt3A_222 = arith.constant 5000 : i32
        %lt3A_223 = vector.broadcast %lt3A_222 : i32 to vector<16xi32>
        %lt3A_224 = arith.cmpi slt, %sub3A_218, %lt3A_223 : vector<16xi32>
        %and3A_225 = arith.andi %ge3A_221, %lt3A_224 : vector<16xi1>
        %select_n3A_226 = arith.select %and3A_225, %sub3A_218, %broadcast_in_dim3A_85 : vector<16xi1>, vector<16xi32>
        %swap3A_227 = arith.constant 0 : i32
        %swap3A_228 = arith.index_cast %swap3A_227 : i32 to index
        %swap3A_229 = arith.constant 96 : index
        %swap3A_230 = tpu.vector_load %arg9[%swap3A_228, %swap3A_229] {strides = array<i32>} : memref<4x128xi32, #tpu.memory_space<vmem>>, vector<1x16xi32>,
        %swap3A_231 = vector.shape_cast %swap3A_230 : vector<1x16xi32> to vector<16xi32>
        %swap3A_232 = vector.shape_cast %select_n3A_226 : vector<16xi32> to vector<1x16xi32>
        tpu.vector_store %arg9[%swap3A_228, %swap3A_229], %swap3A_232 {strides = array<i32>} : memref<4x128xi32, #tpu.memory_space<vmem>>, vector<1x16xi32>,
        %add3A_233 = arith.constant 0 : i32
        %add3A_234 = arith.addi %mul3A_28, %add3A_233 : i32
        %get3A_235 = arith.index_cast %add3A_234 : i32 to index
        %get3A_236 = arith.constant 112 : index
        %get3A_237 = tpu.vector_load %arg8[%get3A_235, %get3A_236] {strides = array<i32>} : memref<40x128xi32, #tpu.memory_space<vmem>>, vector<1x16xi32>,
        %get3A_238 = vector.shape_cast %get3A_237 : vector<1x16xi32> to vector<16xi32>
        %sub3A_239 = vector.broadcast %mul3A_4 : i32 to vector<16xi32>
        %sub3A_240 = arith.subi %get3A_238, %sub3A_239 : vector<16xi32>
        %ge3A_241 = arith.constant 0 : i32
        %ge3A_242 = vector.broadcast %ge3A_241 : i32 to vector<16xi32>
        %ge3A_243 = arith.cmpi sge, %sub3A_240, %ge3A_242 : vector<16xi32>
        %lt3A_244 = arith.constant 5000 : i32
        %lt3A_245 = vector.broadcast %lt3A_244 : i32 to vector<16xi32>
        %lt3A_246 = arith.cmpi slt, %sub3A_240, %lt3A_245 : vector<16xi32>
        %and3A_247 = arith.andi %ge3A_243, %lt3A_246 : vector<16xi1>
        %select_n3A_248 = arith.select %and3A_247, %sub3A_240, %broadcast_in_dim3A_85 : vector<16xi1>, vector<16xi32>
        %swap3A_249 = arith.constant 0 : i32
        %swap3A_250 = arith.index_cast %swap3A_249 : i32 to index
        %swap3A_251 = arith.constant 112 : index
        %swap3A_252 = tpu.vector_load %arg9[%swap3A_250, %swap3A_251] {strides = array<i32>} : memref<4x128xi32, #tpu.memory_space<vmem>>, vector<1x16xi32>,
        %swap3A_253 = vector.shape_cast %swap3A_252 : vector<1x16xi32> to vector<16xi32>
        %swap3A_254 = vector.shape_cast %select_n3A_248 : vector<16xi32> to vector<1x16xi32>
        tpu.vector_store %arg9[%swap3A_250, %swap3A_251], %swap3A_254 {strides = array<i32>} : memref<4x128xi32, #tpu.memory_space<vmem>>, vector<1x16xi32>,
        %add3A_255 = arith.constant 1 : i32
        %add3A_256 = arith.addi %mul3A_28, %add3A_255 : i32
        %get3A_257 = arith.index_cast %add3A_256 : i32 to index
        %get3A_258 = arith.constant 0 : index
        %get3A_259 = tpu.vector_load %arg8[%get3A_257, %get3A_258] {strides = array<i32>} : memref<40x128xi32, #tpu.memory_space<vmem>>, vector<1x16xi32>,
        %get3A_260 = vector.shape_cast %get3A_259 : vector<1x16xi32> to vector<16xi32>
        %sub3A_261 = vector.broadcast %mul3A_4 : i32 to vector<16xi32>
        %sub3A_262 = arith.subi %get3A_260, %sub3A_261 : vector<16xi32>
        %ge3A_263 = arith.constant 0 : i32
        %ge3A_264 = vector.broadcast %ge3A_263 : i32 to vector<16xi32>
        %ge3A_265 = arith.cmpi sge, %sub3A_262, %ge3A_264 : vector<16xi32>
        %lt3A_266 = arith.constant 5000 : i32
        %lt3A_267 = vector.broadcast %lt3A_266 : i32 to vector<16xi32>
        %lt3A_268 = arith.cmpi slt, %sub3A_262, %lt3A_267 : vector<16xi32>
        %and3A_269 = arith.andi %ge3A_265, %lt3A_268 : vector<16xi1>
        %select_n3A_270 = arith.select %and3A_269, %sub3A_262, %broadcast_in_dim3A_85 : vector<16xi1>, vector<16xi32>
        %swap3A_271 = arith.constant 1 : i32
        %swap3A_272 = arith.index_cast %swap3A_271 : i32 to index
        %swap3A_273 = arith.constant 0 : index
        %swap3A_274 = tpu.vector_load %arg9[%swap3A_272, %swap3A_273] {strides = array<i32>} : memref<4x128xi32, #tpu.memory_space<vmem>>, vector<1x16xi32>,
        %swap3A_275 = vector.shape_cast %swap3A_274 : vector<1x16xi32> to vector<16xi32>
        %swap3A_276 = vector.shape_cast %select_n3A_270 : vector<16xi32> to vector<1x16xi32>
        tpu.vector_store %arg9[%swap3A_272, %swap3A_273], %swap3A_276 {strides = array<i32>} : memref<4x128xi32, #tpu.memory_space<vmem>>, vector<1x16xi32>,
        %add3A_277 = arith.constant 1 : i32
        %add3A_278 = arith.addi %mul3A_28, %add3A_277 : i32
        %get3A_279 = arith.index_cast %add3A_278 : i32 to index
        %get3A_280 = arith.constant 16 : index
        %get3A_281 = tpu.vector_load %arg8[%get3A_279, %get3A_280] {strides = array<i32>} : memref<40x128xi32, #tpu.memory_space<vmem>>, vector<1x16xi32>,
        %get3A_282 = vector.shape_cast %get3A_281 : vector<1x16xi32> to vector<16xi32>
        %sub3A_283 = vector.broadcast %mul3A_4 : i32 to vector<16xi32>
        %sub3A_284 = arith.subi %get3A_282, %sub3A_283 : vector<16xi32>
        %ge3A_285 = arith.constant 0 : i32
        %ge3A_286 = vector.broadcast %ge3A_285 : i32 to vector<16xi32>
        %ge3A_287 = arith.cmpi sge, %sub3A_284, %ge3A_286 : vector<16xi32>
        %lt3A_288 = arith.constant 5000 : i32
        %lt3A_289 = vector.broadcast %lt3A_288 : i32 to vector<16xi32>
        %lt3A_290 = arith.cmpi slt, %sub3A_284, %lt3A_289 : vector<16xi32>
        %and3A_291 = arith.andi %ge3A_287, %lt3A_290 : vector<16xi1>
        %select_n3A_292 = arith.select %and3A_291, %sub3A_284, %broadcast_in_dim3A_85 : vector<16xi1>, vector<16xi32>
        %swap3A_293 = arith.constant 1 : i32
        %swap3A_294 = arith.index_cast %swap3A_293 : i32 to index
        %swap3A_295 = arith.constant 16 : index
        %swap3A_296 = tpu.vector_load %arg9[%swap3A_294, %swap3A_295] {strides = array<i32>} : memref<4x128xi32, #tpu.memory_space<vmem>>, vector<1x16xi32>,
        %swap3A_297 = vector.shape_cast %swap3A_296 : vector<1x16xi32> to vector<16xi32>
        %swap3A_298 = vector.shape_cast %select_n3A_292 : vector<16xi32> to vector<1x16xi32>
        tpu.vector_store %arg9[%swap3A_294, %swap3A_295], %swap3A_298 {strides = array<i32>} : memref<4x128xi32, #tpu.memory_space<vmem>>, vector<1x16xi32>,
        %add3A_299 = arith.constant 1 : i32
        %add3A_300 = arith.addi %mul3A_28, %add3A_299 : i32
        %get3A_301 = arith.index_cast %add3A_300 : i32 to index
        %get3A_302 = arith.constant 32 : index
        %get3A_303 = tpu.vector_load %arg8[%get3A_301, %get3A_302] {strides = array<i32>} : memref<40x128xi32, #tpu.memory_space<vmem>>, vector<1x16xi32>,
        %get3A_304 = vector.shape_cast %get3A_303 : vector<1x16xi32> to vector<16xi32>
        %sub3A_305 = vector.broadcast %mul3A_4 : i32 to vector<16xi32>
        %sub3A_306 = arith.subi %get3A_304, %sub3A_305 : vector<16xi32>
        %ge3A_307 = arith.constant 0 : i32
        %ge3A_308 = vector.broadcast %ge3A_307 : i32 to vector<16xi32>
        %ge3A_309 = arith.cmpi sge, %sub3A_306, %ge3A_308 : vector<16xi32>
        %lt3A_310 = arith.constant 5000 : i32
        %lt3A_311 = vector.broadcast %lt3A_310 : i32 to vector<16xi32>
        %lt3A_312 = arith.cmpi slt, %sub3A_306, %lt3A_311 : vector<16xi32>
        %and3A_313 = arith.andi %ge3A_309, %lt3A_312 : vector<16xi1>
        %select_n3A_314 = arith.select %and3A_313, %sub3A_306, %broadcast_in_dim3A_85 : vector<16xi1>, vector<16xi32>
        %swap3A_315 = arith.constant 1 : i32
        %swap3A_316 = arith.index_cast %swap3A_315 : i32 to index
        %swap3A_317 = arith.constant 32 : index
        %swap3A_318 = tpu.vector_load %arg9[%swap3A_316, %swap3A_317] {strides = array<i32>} : memref<4x128xi32, #tpu.memory_space<vmem>>, vector<1x16xi32>,
        %swap3A_319 = vector.shape_cast %swap3A_318 : vector<1x16xi32> to vector<16xi32>
        %swap3A_320 = vector.shape_cast %select_n3A_314 : vector<16xi32> to vector<1x16xi32>
        tpu.vector_store %arg9[%swap3A_316, %swap3A_317], %swap3A_320 {strides = array<i32>} : memref<4x128xi32, #tpu.memory_space<vmem>>, vector<1x16xi32>,
        %add3A_321 = arith.constant 1 : i32
        %add3A_322 = arith.addi %mul3A_28, %add3A_321 : i32
        %get3A_323 = arith.index_cast %add3A_322 : i32 to index
        %get3A_324 = arith.constant 48 : index
        %get3A_325 = tpu.vector_load %arg8[%get3A_323, %get3A_324] {strides = array<i32>} : memref<40x128xi32, #tpu.memory_space<vmem>>, vector<1x16xi32>,
        %get3A_326 = vector.shape_cast %get3A_325 : vector<1x16xi32> to vector<16xi32>
        %sub3A_327 = vector.broadcast %mul3A_4 : i32 to vector<16xi32>
        %sub3A_328 = arith.subi %get3A_326, %sub3A_327 : vector<16xi32>
        %ge3A_329 = arith.constant 0 : i32
        %ge3A_330 = vector.broadcast %ge3A_329 : i32 to vector<16xi32>
        %ge3A_331 = arith.cmpi sge, %sub3A_328, %ge3A_330 : vector<16xi32>
        %lt3A_332 = arith.constant 5000 : i32
        %lt3A_333 = vector.broadcast %lt3A_332 : i32 to vector<16xi32>
        %lt3A_334 = arith.cmpi slt, %sub3A_328, %lt3A_333 : vector<16xi32>
        %and3A_335 = arith.andi %ge3A_331, %lt3A_334 : vector<16xi1>
        %select_n3A_336 = arith.select %and3A_335, %sub3A_328, %broadcast_in_dim3A_85 : vector<16xi1>, vector<16xi32>
        %swap3A_337 = arith.constant 1 : i32
        %swap3A_338 = arith.index_cast %swap3A_337 : i32 to index
        %swap3A_339 = arith.constant 48 : index
        %swap3A_340 = tpu.vector_load %arg9[%swap3A_338, %swap3A_339] {strides = array<i32>} : memref<4x128xi32, #tpu.memory_space<vmem>>, vector<1x16xi32>,
        %swap3A_341 = vector.shape_cast %swap3A_340 : vector<1x16xi32> to vector<16xi32>
        %swap3A_342 = vector.shape_cast %select_n3A_336 : vector<16xi32> to vector<1x16xi32>
        tpu.vector_store %arg9[%swap3A_338, %swap3A_339], %swap3A_342 {strides = array<i32>} : memref<4x128xi32, #tpu.memory_space<vmem>>, vector<1x16xi32>,
        %add3A_343 = arith.constant 1 : i32
        %add3A_344 = arith.addi %mul3A_28, %add3A_343 : i32
        %get3A_345 = arith.index_cast %add3A_344 : i32 to index
        %get3A_346 = arith.constant 64 : index
        %get3A_347 = tpu.vector_load %arg8[%get3A_345, %get3A_346] {strides = array<i32>} : memref<40x128xi32, #tpu.memory_space<vmem>>, vector<1x16xi32>,
        %get3A_348 = vector.shape_cast %get3A_347 : vector<1x16xi32> to vector<16xi32>
        %sub3A_349 = vector.broadcast %mul3A_4 : i32 to vector<16xi32>
        %sub3A_350 = arith.subi %get3A_348, %sub3A_349 : vector<16xi32>
        %ge3A_351 = arith.constant 0 : i32
        %ge3A_352 = vector.broadcast %ge3A_351 : i32 to vector<16xi32>
        %ge3A_353 = arith.cmpi sge, %sub3A_350, %ge3A_352 : vector<16xi32>
        %lt3A_354 = arith.constant 5000 : i32
        %lt3A_355 = vector.broadcast %lt3A_354 : i32 to vector<16xi32>
        %lt3A_356 = arith.cmpi slt, %sub3A_350, %lt3A_355 : vector<16xi32>
        %and3A_357 = arith.andi %ge3A_353, %lt3A_356 : vector<16xi1>
        %select_n3A_358 = arith.select %and3A_357, %sub3A_350, %broadcast_in_dim3A_85 : vector<16xi1>, vector<16xi32>
        %swap3A_359 = arith.constant 1 : i32
        %swap3A_360 = arith.index_cast %swap3A_359 : i32 to index
        %swap3A_361 = arith.constant 64 : index
        %swap3A_362 = tpu.vector_load %arg9[%swap3A_360, %swap3A_361] {strides = array<i32>} : memref<4x128xi32, #tpu.memory_space<vmem>>, vector<1x16xi32>,
        %swap3A_363 = vector.shape_cast %swap3A_362 : vector<1x16xi32> to vector<16xi32>
        %swap3A_364 = vector.shape_cast %select_n3A_358 : vector<16xi32> to vector<1x16xi32>
        tpu.vector_store %arg9[%swap3A_360, %swap3A_361], %swap3A_364 {strides = array<i32>} : memref<4x128xi32, #tpu.memory_space<vmem>>, vector<1x16xi32>,
        %add3A_365 = arith.constant 1 : i32
        %add3A_366 = arith.addi %mul3A_28, %add3A_365 : i32
        %get3A_367 = arith.index_cast %add3A_366 : i32 to index
        %get3A_368 = arith.constant 80 : index
        %get3A_369 = tpu.vector_load %arg8[%get3A_367, %get3A_368] {strides = array<i32>} : memref<40x128xi32, #tpu.memory_space<vmem>>, vector<1x16xi32>,
        %get3A_370 = vector.shape_cast %get3A_369 : vector<1x16xi32> to vector<16xi32>
        %sub3A_371 = vector.broadcast %mul3A_4 : i32 to vector<16xi32>
        %sub3A_372 = arith.subi %get3A_370, %sub3A_371 : vector<16xi32>
        %ge3A_373 = arith.constant 0 : i32
        %ge3A_374 = vector.broadcast %ge3A_373 : i32 to vector<16xi32>
        %ge3A_375 = arith.cmpi sge, %sub3A_372, %ge3A_374 : vector<16xi32>
        %lt3A_376 = arith.constant 5000 : i32
        %lt3A_377 = vector.broadcast %lt3A_376 : i32 to vector<16xi32>
        %lt3A_378 = arith.cmpi slt, %sub3A_372, %lt3A_377 : vector<16xi32>
        %and3A_379 = arith.andi %ge3A_375, %lt3A_378 : vector<16xi1>
        %select_n3A_380 = arith.select %and3A_379, %sub3A_372, %broadcast_in_dim3A_85 : vector<16xi1>, vector<16xi32>
        %swap3A_381 = arith.constant 1 : i32
        %swap3A_382 = arith.index_cast %swap3A_381 : i32 to index
        %swap3A_383 = arith.constant 80 : index
        %swap3A_384 = tpu.vector_load %arg9[%swap3A_382, %swap3A_383] {strides = array<i32>} : memref<4x128xi32, #tpu.memory_space<vmem>>, vector<1x16xi32>,
        %swap3A_385 = vector.shape_cast %swap3A_384 : vector<1x16xi32> to vector<16xi32>
        %swap3A_386 = vector.shape_cast %select_n3A_380 : vector<16xi32> to vector<1x16xi32>
        tpu.vector_store %arg9[%swap3A_382, %swap3A_383], %swap3A_386 {strides = array<i32>} : memref<4x128xi32, #tpu.memory_space<vmem>>, vector<1x16xi32>,
        %add3A_387 = arith.constant 1 : i32
        %add3A_388 = arith.addi %mul3A_28, %add3A_387 : i32
        %get3A_389 = arith.index_cast %add3A_388 : i32 to index
        %get3A_390 = arith.constant 96 : index
        %get3A_391 = tpu.vector_load %arg8[%get3A_389, %get3A_390] {strides = array<i32>} : memref<40x128xi32, #tpu.memory_space<vmem>>, vector<1x16xi32>,
        %get3A_392 = vector.shape_cast %get3A_391 : vector<1x16xi32> to vector<16xi32>
        %sub3A_393 = vector.broadcast %mul3A_4 : i32 to vector<16xi32>
        %sub3A_394 = arith.subi %get3A_392, %sub3A_393 : vector<16xi32>
        %ge3A_395 = arith.constant 0 : i32
        %ge3A_396 = vector.broadcast %ge3A_395 : i32 to vector<16xi32>
        %ge3A_397 = arith.cmpi sge, %sub3A_394, %ge3A_396 : vector<16xi32>
        %lt3A_398 = arith.constant 5000 : i32
        %lt3A_399 = vector.broadcast %lt3A_398 : i32 to vector<16xi32>
        %lt3A_400 = arith.cmpi slt, %sub3A_394, %lt3A_399 : vector<16xi32>
        %and3A_401 = arith.andi %ge3A_397, %lt3A_400 : vector<16xi1>
        %select_n3A_402 = arith.select %and3A_401, %sub3A_394, %broadcast_in_dim3A_85 : vector<16xi1>, vector<16xi32>
        %swap3A_403 = arith.constant 1 : i32
        %swap3A_404 = arith.index_cast %swap3A_403 : i32 to index
        %swap3A_405 = arith.constant 96 : index
        %swap3A_406 = tpu.vector_load %arg9[%swap3A_404, %swap3A_405] {strides = array<i32>} : memref<4x128xi32, #tpu.memory_space<vmem>>, vector<1x16xi32>,
        %swap3A_407 = vector.shape_cast %swap3A_406 : vector<1x16xi32> to vector<16xi32>
        %swap3A_408 = vector.shape_cast %select_n3A_402 : vector<16xi32> to vector<1x16xi32>
        tpu.vector_store %arg9[%swap3A_404, %swap3A_405], %swap3A_408 {strides = array<i32>} : memref<4x128xi32, #tpu.memory_space<vmem>>, vector<1x16xi32>,
        %add3A_409 = arith.constant 1 : i32
        %add3A_410 = arith.addi %mul3A_28, %add3A_409 : i32
        %get3A_411 = arith.index_cast %add3A_410 : i32 to index
        %get3A_412 = arith.constant 112 : index
        %get3A_413 = tpu.vector_load %arg8[%get3A_411, %get3A_412] {strides = array<i32>} : memref<40x128xi32, #tpu.memory_space<vmem>>, vector<1x16xi32>,
        %get3A_414 = vector.shape_cast %get3A_413 : vector<1x16xi32> to vector<16xi32>
        %sub3A_415 = vector.broadcast %mul3A_4 : i32 to vector<16xi32>
        %sub3A_416 = arith.subi %get3A_414, %sub3A_415 : vector<16xi32>
        %ge3A_417 = arith.constant 0 : i32
        %ge3A_418 = vector.broadcast %ge3A_417 : i32 to vector<16xi32>
        %ge3A_419 = arith.cmpi sge, %sub3A_416, %ge3A_418 : vector<16xi32>
        %lt3A_420 = arith.constant 5000 : i32
        %lt3A_421 = vector.broadcast %lt3A_420 : i32 to vector<16xi32>
        %lt3A_422 = arith.cmpi slt, %sub3A_416, %lt3A_421 : vector<16xi32>
        %and3A_423 = arith.andi %ge3A_419, %lt3A_422 : vector<16xi1>
        %select_n3A_424 = arith.select %and3A_423, %sub3A_416, %broadcast_in_dim3A_85 : vector<16xi1>, vector<16xi32>
        %swap3A_425 = arith.constant 1 : i32
        %swap3A_426 = arith.index_cast %swap3A_425 : i32 to index
        %swap3A_427 = arith.constant 112 : index
        %swap3A_428 = tpu.vector_load %arg9[%swap3A_426, %swap3A_427] {strides = array<i32>} : memref<4x128xi32, #tpu.memory_space<vmem>>, vector<1x16xi32>,
        %swap3A_429 = vector.shape_cast %swap3A_428 : vector<1x16xi32> to vector<16xi32>
        %swap3A_430 = vector.shape_cast %select_n3A_424 : vector<16xi32> to vector<1x16xi32>
        tpu.vector_store %arg9[%swap3A_426, %swap3A_427], %swap3A_430 {strides = array<i32>} : memref<4x128xi32, #tpu.memory_space<vmem>>, vector<1x16xi32>,
        %add3A_431 = arith.constant 2 : i32
        %add3A_432 = arith.addi %mul3A_28, %add3A_431 : i32
        %get3A_433 = arith.index_cast %add3A_432 : i32 to index
        %get3A_434 = arith.constant 0 : index
        %get3A_435 = tpu.vector_load %arg8[%get3A_433, %get3A_434] {strides = array<i32>} : memref<40x128xi32, #tpu.memory_space<vmem>>, vector<1x16xi32>,
        %get3A_436 = vector.shape_cast %get3A_435 : vector<1x16xi32> to vector<16xi32>
        %sub3A_437 = vector.broadcast %mul3A_4 : i32 to vector<16xi32>
        %sub3A_438 = arith.subi %get3A_436, %sub3A_437 : vector<16xi32>
        %ge3A_439 = arith.constant 0 : i32
        %ge3A_440 = vector.broadcast %ge3A_439 : i32 to vector<16xi32>
        %ge3A_441 = arith.cmpi sge, %sub3A_438, %ge3A_440 : vector<16xi32>
        %lt3A_442 = arith.constant 5000 : i32
        %lt3A_443 = vector.broadcast %lt3A_442 : i32 to vector<16xi32>
        %lt3A_444 = arith.cmpi slt, %sub3A_438, %lt3A_443 : vector<16xi32>
        %and3A_445 = arith.andi %ge3A_441, %lt3A_444 : vector<16xi1>
        %select_n3A_446 = arith.select %and3A_445, %sub3A_438, %broadcast_in_dim3A_85 : vector<16xi1>, vector<16xi32>
        %swap3A_447 = arith.constant 2 : i32
        %swap3A_448 = arith.index_cast %swap3A_447 : i32 to index
        %swap3A_449 = arith.constant 0 : index
        %swap3A_450 = tpu.vector_load %arg9[%swap3A_448, %swap3A_449] {strides = array<i32>} : memref<4x128xi32, #tpu.memory_space<vmem>>, vector<1x16xi32>,
        %swap3A_451 = vector.shape_cast %swap3A_450 : vector<1x16xi32> to vector<16xi32>
        %swap3A_452 = vector.shape_cast %select_n3A_446 : vector<16xi32> to vector<1x16xi32>
        tpu.vector_store %arg9[%swap3A_448, %swap3A_449], %swap3A_452 {strides = array<i32>} : memref<4x128xi32, #tpu.memory_space<vmem>>, vector<1x16xi32>,
        %add3A_453 = arith.constant 2 : i32
        %add3A_454 = arith.addi %mul3A_28, %add3A_453 : i32
        %get3A_455 = arith.index_cast %add3A_454 : i32 to index
        %get3A_456 = arith.constant 16 : index
        %get3A_457 = tpu.vector_load %arg8[%get3A_455, %get3A_456] {strides = array<i32>} : memref<40x128xi32, #tpu.memory_space<vmem>>, vector<1x16xi32>,
        %get3A_458 = vector.shape_cast %get3A_457 : vector<1x16xi32> to vector<16xi32>
        %sub3A_459 = vector.broadcast %mul3A_4 : i32 to vector<16xi32>
        %sub3A_460 = arith.subi %get3A_458, %sub3A_459 : vector<16xi32>
        %ge3A_461 = arith.constant 0 : i32
        %ge3A_462 = vector.broadcast %ge3A_461 : i32 to vector<16xi32>
        %ge3A_463 = arith.cmpi sge, %sub3A_460, %ge3A_462 : vector<16xi32>
        %lt3A_464 = arith.constant 5000 : i32
        %lt3A_465 = vector.broadcast %lt3A_464 : i32 to vector<16xi32>
        %lt3A_466 = arith.cmpi slt, %sub3A_460, %lt3A_465 : vector<16xi32>
        %and3A_467 = arith.andi %ge3A_463, %lt3A_466 : vector<16xi1>
        %select_n3A_468 = arith.select %and3A_467, %sub3A_460, %broadcast_in_dim3A_85 : vector<16xi1>, vector<16xi32>
        %swap3A_469 = arith.constant 2 : i32
        %swap3A_470 = arith.index_cast %swap3A_469 : i32 to index
        %swap3A_471 = arith.constant 16 : index
        %swap3A_472 = tpu.vector_load %arg9[%swap3A_470, %swap3A_471] {strides = array<i32>} : memref<4x128xi32, #tpu.memory_space<vmem>>, vector<1x16xi32>,
        %swap3A_473 = vector.shape_cast %swap3A_472 : vector<1x16xi32> to vector<16xi32>
        %swap3A_474 = vector.shape_cast %select_n3A_468 : vector<16xi32> to vector<1x16xi32>
        tpu.vector_store %arg9[%swap3A_470, %swap3A_471], %swap3A_474 {strides = array<i32>} : memref<4x128xi32, #tpu.memory_space<vmem>>, vector<1x16xi32>,
        %add3A_475 = arith.constant 2 : i32
        %add3A_476 = arith.addi %mul3A_28, %add3A_475 : i32
        %get3A_477 = arith.index_cast %add3A_476 : i32 to index
        %get3A_478 = arith.constant 32 : index
        %get3A_479 = tpu.vector_load %arg8[%get3A_477, %get3A_478] {strides = array<i32>} : memref<40x128xi32, #tpu.memory_space<vmem>>, vector<1x16xi32>,
        %get3A_480 = vector.shape_cast %get3A_479 : vector<1x16xi32> to vector<16xi32>
        %sub3A_481 = vector.broadcast %mul3A_4 : i32 to vector<16xi32>
        %sub3A_482 = arith.subi %get3A_480, %sub3A_481 : vector<16xi32>
        %ge3A_483 = arith.constant 0 : i32
        %ge3A_484 = vector.broadcast %ge3A_483 : i32 to vector<16xi32>
        %ge3A_485 = arith.cmpi sge, %sub3A_482, %ge3A_484 : vector<16xi32>
        %lt3A_486 = arith.constant 5000 : i32
        %lt3A_487 = vector.broadcast %lt3A_486 : i32 to vector<16xi32>
        %lt3A_488 = arith.cmpi slt, %sub3A_482, %lt3A_487 : vector<16xi32>
        %and3A_489 = arith.andi %ge3A_485, %lt3A_488 : vector<16xi1>
        %select_n3A_490 = arith.select %and3A_489, %sub3A_482, %broadcast_in_dim3A_85 : vector<16xi1>, vector<16xi32>
        %swap3A_491 = arith.constant 2 : i32
        %swap3A_492 = arith.index_cast %swap3A_491 : i32 to index
        %swap3A_493 = arith.constant 32 : index
        %swap3A_494 = tpu.vector_load %arg9[%swap3A_492, %swap3A_493] {strides = array<i32>} : memref<4x128xi32, #tpu.memory_space<vmem>>, vector<1x16xi32>,
        %swap3A_495 = vector.shape_cast %swap3A_494 : vector<1x16xi32> to vector<16xi32>
        %swap3A_496 = vector.shape_cast %select_n3A_490 : vector<16xi32> to vector<1x16xi32>
        tpu.vector_store %arg9[%swap3A_492, %swap3A_493], %swap3A_496 {strides = array<i32>} : memref<4x128xi32, #tpu.memory_space<vmem>>, vector<1x16xi32>,
        %add3A_497 = arith.constant 2 : i32
        %add3A_498 = arith.addi %mul3A_28, %add3A_497 : i32
        %get3A_499 = arith.index_cast %add3A_498 : i32 to index
        %get3A_500 = arith.constant 48 : index
        %get3A_501 = tpu.vector_load %arg8[%get3A_499, %get3A_500] {strides = array<i32>} : memref<40x128xi32, #tpu.memory_space<vmem>>, vector<1x16xi32>,
        %get3A_502 = vector.shape_cast %get3A_501 : vector<1x16xi32> to vector<16xi32>
        %sub3A_503 = vector.broadcast %mul3A_4 : i32 to vector<16xi32>
        %sub3A_504 = arith.subi %get3A_502, %sub3A_503 : vector<16xi32>
        %ge3A_505 = arith.constant 0 : i32
        %ge3A_506 = vector.broadcast %ge3A_505 : i32 to vector<16xi32>
        %ge3A_507 = arith.cmpi sge, %sub3A_504, %ge3A_506 : vector<16xi32>
        %lt3A_508 = arith.constant 5000 : i32
        %lt3A_509 = vector.broadcast %lt3A_508 : i32 to vector<16xi32>
        %lt3A_510 = arith.cmpi slt, %sub3A_504, %lt3A_509 : vector<16xi32>
        %and3A_511 = arith.andi %ge3A_507, %lt3A_510 : vector<16xi1>
        %select_n3A_512 = arith.select %and3A_511, %sub3A_504, %broadcast_in_dim3A_85 : vector<16xi1>, vector<16xi32>
        %swap3A_513 = arith.constant 2 : i32
        %swap3A_514 = arith.index_cast %swap3A_513 : i32 to index
        %swap3A_515 = arith.constant 48 : index
        %swap3A_516 = tpu.vector_load %arg9[%swap3A_514, %swap3A_515] {strides = array<i32>} : memref<4x128xi32, #tpu.memory_space<vmem>>, vector<1x16xi32>,
        %swap3A_517 = vector.shape_cast %swap3A_516 : vector<1x16xi32> to vector<16xi32>
        %swap3A_518 = vector.shape_cast %select_n3A_512 : vector<16xi32> to vector<1x16xi32>
        tpu.vector_store %arg9[%swap3A_514, %swap3A_515], %swap3A_518 {strides = array<i32>} : memref<4x128xi32, #tpu.memory_space<vmem>>, vector<1x16xi32>,
        %add3A_519 = arith.constant 2 : i32
        %add3A_520 = arith.addi %mul3A_28, %add3A_519 : i32
        %get3A_521 = arith.index_cast %add3A_520 : i32 to index
        %get3A_522 = arith.constant 64 : index
        %get3A_523 = tpu.vector_load %arg8[%get3A_521, %get3A_522] {strides = array<i32>} : memref<40x128xi32, #tpu.memory_space<vmem>>, vector<1x16xi32>,
        %get3A_524 = vector.shape_cast %get3A_523 : vector<1x16xi32> to vector<16xi32>
        %sub3A_525 = vector.broadcast %mul3A_4 : i32 to vector<16xi32>
        %sub3A_526 = arith.subi %get3A_524, %sub3A_525 : vector<16xi32>
        %ge3A_527 = arith.constant 0 : i32
        %ge3A_528 = vector.broadcast %ge3A_527 : i32 to vector<16xi32>
        %ge3A_529 = arith.cmpi sge, %sub3A_526, %ge3A_528 : vector<16xi32>
        %lt3A_530 = arith.constant 5000 : i32
        %lt3A_531 = vector.broadcast %lt3A_530 : i32 to vector<16xi32>
        %lt3A_532 = arith.cmpi slt, %sub3A_526, %lt3A_531 : vector<16xi32>
        %and3A_533 = arith.andi %ge3A_529, %lt3A_532 : vector<16xi1>
        %select_n3A_534 = arith.select %and3A_533, %sub3A_526, %broadcast_in_dim3A_85 : vector<16xi1>, vector<16xi32>
        %swap3A_535 = arith.constant 2 : i32
        %swap3A_536 = arith.index_cast %swap3A_535 : i32 to index
        %swap3A_537 = arith.constant 64 : index
        %swap3A_538 = tpu.vector_load %arg9[%swap3A_536, %swap3A_537] {strides = array<i32>} : memref<4x128xi32, #tpu.memory_space<vmem>>, vector<1x16xi32>,
        %swap3A_539 = vector.shape_cast %swap3A_538 : vector<1x16xi32> to vector<16xi32>
        %swap3A_540 = vector.shape_cast %select_n3A_534 : vector<16xi32> to vector<1x16xi32>
        tpu.vector_store %arg9[%swap3A_536, %swap3A_537], %swap3A_540 {strides = array<i32>} : memref<4x128xi32, #tpu.memory_space<vmem>>, vector<1x16xi32>,
        %add3A_541 = arith.constant 2 : i32
        %add3A_542 = arith.addi %mul3A_28, %add3A_541 : i32
        %get3A_543 = arith.index_cast %add3A_542 : i32 to index
        %get3A_544 = arith.constant 80 : index
        %get3A_545 = tpu.vector_load %arg8[%get3A_543, %get3A_544] {strides = array<i32>} : memref<40x128xi32, #tpu.memory_space<vmem>>, vector<1x16xi32>,
        %get3A_546 = vector.shape_cast %get3A_545 : vector<1x16xi32> to vector<16xi32>
        %sub3A_547 = vector.broadcast %mul3A_4 : i32 to vector<16xi32>
        %sub3A_548 = arith.subi %get3A_546, %sub3A_547 : vector<16xi32>
        %ge3A_549 = arith.constant 0 : i32
        %ge3A_550 = vector.broadcast %ge3A_549 : i32 to vector<16xi32>
        %ge3A_551 = arith.cmpi sge, %sub3A_548, %ge3A_550 : vector<16xi32>
        %lt3A_552 = arith.constant 5000 : i32
        %lt3A_553 = vector.broadcast %lt3A_552 : i32 to vector<16xi32>
        %lt3A_554 = arith.cmpi slt, %sub3A_548, %lt3A_553 : vector<16xi32>
        %and3A_555 = arith.andi %ge3A_551, %lt3A_554 : vector<16xi1>
        %select_n3A_556 = arith.select %and3A_555, %sub3A_548, %broadcast_in_dim3A_85 : vector<16xi1>, vector<16xi32>
        %swap3A_557 = arith.constant 2 : i32
        %swap3A_558 = arith.index_cast %swap3A_557 : i32 to index
        %swap3A_559 = arith.constant 80 : index
        %swap3A_560 = tpu.vector_load %arg9[%swap3A_558, %swap3A_559] {strides = array<i32>} : memref<4x128xi32, #tpu.memory_space<vmem>>, vector<1x16xi32>,
        %swap3A_561 = vector.shape_cast %swap3A_560 : vector<1x16xi32> to vector<16xi32>
        %swap3A_562 = vector.shape_cast %select_n3A_556 : vector<16xi32> to vector<1x16xi32>
        tpu.vector_store %arg9[%swap3A_558, %swap3A_559], %swap3A_562 {strides = array<i32>} : memref<4x128xi32, #tpu.memory_space<vmem>>, vector<1x16xi32>,
        %add3A_563 = arith.constant 2 : i32
        %add3A_564 = arith.addi %mul3A_28, %add3A_563 : i32
        %get3A_565 = arith.index_cast %add3A_564 : i32 to index
        %get3A_566 = arith.constant 96 : index
        %get3A_567 = tpu.vector_load %arg8[%get3A_565, %get3A_566] {strides = array<i32>} : memref<40x128xi32, #tpu.memory_space<vmem>>, vector<1x16xi32>,
        %get3A_568 = vector.shape_cast %get3A_567 : vector<1x16xi32> to vector<16xi32>
        %sub3A_569 = vector.broadcast %mul3A_4 : i32 to vector<16xi32>
        %sub3A_570 = arith.subi %get3A_568, %sub3A_569 : vector<16xi32>
        %ge3A_571 = arith.constant 0 : i32
        %ge3A_572 = vector.broadcast %ge3A_571 : i32 to vector<16xi32>
        %ge3A_573 = arith.cmpi sge, %sub3A_570, %ge3A_572 : vector<16xi32>
        %lt3A_574 = arith.constant 5000 : i32
        %lt3A_575 = vector.broadcast %lt3A_574 : i32 to vector<16xi32>
        %lt3A_576 = arith.cmpi slt, %sub3A_570, %lt3A_575 : vector<16xi32>
        %and3A_577 = arith.andi %ge3A_573, %lt3A_576 : vector<16xi1>
        %select_n3A_578 = arith.select %and3A_577, %sub3A_570, %broadcast_in_dim3A_85 : vector<16xi1>, vector<16xi32>
        %swap3A_579 = arith.constant 2 : i32
        %swap3A_580 = arith.index_cast %swap3A_579 : i32 to index
        %swap3A_581 = arith.constant 96 : index
        %swap3A_582 = tpu.vector_load %arg9[%swap3A_580, %swap3A_581] {strides = array<i32>} : memref<4x128xi32, #tpu.memory_space<vmem>>, vector<1x16xi32>,
        %swap3A_583 = vector.shape_cast %swap3A_582 : vector<1x16xi32> to vector<16xi32>
        %swap3A_584 = vector.shape_cast %select_n3A_578 : vector<16xi32> to vector<1x16xi32>
        tpu.vector_store %arg9[%swap3A_580, %swap3A_581], %swap3A_584 {strides = array<i32>} : memref<4x128xi32, #tpu.memory_space<vmem>>, vector<1x16xi32>,
        %add3A_585 = arith.constant 2 : i32
        %add3A_586 = arith.addi %mul3A_28, %add3A_585 : i32
        %get3A_587 = arith.index_cast %add3A_586 : i32 to index
        %get3A_588 = arith.constant 112 : index
        %get3A_589 = tpu.vector_load %arg8[%get3A_587, %get3A_588] {strides = array<i32>} : memref<40x128xi32, #tpu.memory_space<vmem>>, vector<1x16xi32>,
        %get3A_590 = vector.shape_cast %get3A_589 : vector<1x16xi32> to vector<16xi32>
        %sub3A_591 = vector.broadcast %mul3A_4 : i32 to vector<16xi32>
        %sub3A_592 = arith.subi %get3A_590, %sub3A_591 : vector<16xi32>
        %ge3A_593 = arith.constant 0 : i32
        %ge3A_594 = vector.broadcast %ge3A_593 : i32 to vector<16xi32>
        %ge3A_595 = arith.cmpi sge, %sub3A_592, %ge3A_594 : vector<16xi32>
        %lt3A_596 = arith.constant 5000 : i32
        %lt3A_597 = vector.broadcast %lt3A_596 : i32 to vector<16xi32>
        %lt3A_598 = arith.cmpi slt, %sub3A_592, %lt3A_597 : vector<16xi32>
        %and3A_599 = arith.andi %ge3A_595, %lt3A_598 : vector<16xi1>
        %select_n3A_600 = arith.select %and3A_599, %sub3A_592, %broadcast_in_dim3A_85 : vector<16xi1>, vector<16xi32>
        %swap3A_601 = arith.constant 2 : i32
        %swap3A_602 = arith.index_cast %swap3A_601 : i32 to index
        %swap3A_603 = arith.constant 112 : index
        %swap3A_604 = tpu.vector_load %arg9[%swap3A_602, %swap3A_603] {strides = array<i32>} : memref<4x128xi32, #tpu.memory_space<vmem>>, vector<1x16xi32>,
        %swap3A_605 = vector.shape_cast %swap3A_604 : vector<1x16xi32> to vector<16xi32>
        %swap3A_606 = vector.shape_cast %select_n3A_600 : vector<16xi32> to vector<1x16xi32>
        tpu.vector_store %arg9[%swap3A_602, %swap3A_603], %swap3A_606 {strides = array<i32>} : memref<4x128xi32, #tpu.memory_space<vmem>>, vector<1x16xi32>,
        %add3A_607 = arith.constant 3 : i32
        %add3A_608 = arith.addi %mul3A_28, %add3A_607 : i32
        %get3A_609 = arith.index_cast %add3A_608 : i32 to index
        %get3A_610 = arith.constant 0 : index
        %get3A_611 = tpu.vector_load %arg8[%get3A_609, %get3A_610] {strides = array<i32>} : memref<40x128xi32, #tpu.memory_space<vmem>>, vector<1x16xi32>,
        %get3A_612 = vector.shape_cast %get3A_611 : vector<1x16xi32> to vector<16xi32>
        %sub3A_613 = vector.broadcast %mul3A_4 : i32 to vector<16xi32>
        %sub3A_614 = arith.subi %get3A_612, %sub3A_613 : vector<16xi32>
        %ge3A_615 = arith.constant 0 : i32
        %ge3A_616 = vector.broadcast %ge3A_615 : i32 to vector<16xi32>
        %ge3A_617 = arith.cmpi sge, %sub3A_614, %ge3A_616 : vector<16xi32>
        %lt3A_618 = arith.constant 5000 : i32
        %lt3A_619 = vector.broadcast %lt3A_618 : i32 to vector<16xi32>
        %lt3A_620 = arith.cmpi slt, %sub3A_614, %lt3A_619 : vector<16xi32>
        %and3A_621 = arith.andi %ge3A_617, %lt3A_620 : vector<16xi1>
        %select_n3A_622 = arith.select %and3A_621, %sub3A_614, %broadcast_in_dim3A_85 : vector<16xi1>, vector<16xi32>
        %swap3A_623 = arith.constant 3 : i32
        %swap3A_624 = arith.index_cast %swap3A_623 : i32 to index
        %swap3A_625 = arith.constant 0 : index
        %swap3A_626 = tpu.vector_load %arg9[%swap3A_624, %swap3A_625] {strides = array<i32>} : memref<4x128xi32, #tpu.memory_space<vmem>>, vector<1x16xi32>,
        %swap3A_627 = vector.shape_cast %swap3A_626 : vector<1x16xi32> to vector<16xi32>
        %swap3A_628 = vector.shape_cast %select_n3A_622 : vector<16xi32> to vector<1x16xi32>
        tpu.vector_store %arg9[%swap3A_624, %swap3A_625], %swap3A_628 {strides = array<i32>} : memref<4x128xi32, #tpu.memory_space<vmem>>, vector<1x16xi32>,
        %add3A_629 = arith.constant 3 : i32
        %add3A_630 = arith.addi %mul3A_28, %add3A_629 : i32
        %get3A_631 = arith.index_cast %add3A_630 : i32 to index
        %get3A_632 = arith.constant 16 : index
        %get3A_633 = tpu.vector_load %arg8[%get3A_631, %get3A_632] {strides = array<i32>} : memref<40x128xi32, #tpu.memory_space<vmem>>, vector<1x16xi32>,
        %get3A_634 = vector.shape_cast %get3A_633 : vector<1x16xi32> to vector<16xi32>
        %sub3A_635 = vector.broadcast %mul3A_4 : i32 to vector<16xi32>
        %sub3A_636 = arith.subi %get3A_634, %sub3A_635 : vector<16xi32>
        %ge3A_637 = arith.constant 0 : i32
        %ge3A_638 = vector.broadcast %ge3A_637 : i32 to vector<16xi32>
        %ge3A_639 = arith.cmpi sge, %sub3A_636, %ge3A_638 : vector<16xi32>
        %lt3A_640 = arith.constant 5000 : i32
        %lt3A_641 = vector.broadcast %lt3A_640 : i32 to vector<16xi32>
        %lt3A_642 = arith.cmpi slt, %sub3A_636, %lt3A_641 : vector<16xi32>
        %and3A_643 = arith.andi %ge3A_639, %lt3A_642 : vector<16xi1>
        %select_n3A_644 = arith.select %and3A_643, %sub3A_636, %broadcast_in_dim3A_85 : vector<16xi1>, vector<16xi32>
        %swap3A_645 = arith.constant 3 : i32
        %swap3A_646 = arith.index_cast %swap3A_645 : i32 to index
        %swap3A_647 = arith.constant 16 : index
        %swap3A_648 = tpu.vector_load %arg9[%swap3A_646, %swap3A_647] {strides = array<i32>} : memref<4x128xi32, #tpu.memory_space<vmem>>, vector<1x16xi32>,
        %swap3A_649 = vector.shape_cast %swap3A_648 : vector<1x16xi32> to vector<16xi32>
        %swap3A_650 = vector.shape_cast %select_n3A_644 : vector<16xi32> to vector<1x16xi32>
        tpu.vector_store %arg9[%swap3A_646, %swap3A_647], %swap3A_650 {strides = array<i32>} : memref<4x128xi32, #tpu.memory_space<vmem>>, vector<1x16xi32>,
        %add3A_651 = arith.constant 3 : i32
        %add3A_652 = arith.addi %mul3A_28, %add3A_651 : i32
        %get3A_653 = arith.index_cast %add3A_652 : i32 to index
        %get3A_654 = arith.constant 32 : index
        %get3A_655 = tpu.vector_load %arg8[%get3A_653, %get3A_654] {strides = array<i32>} : memref<40x128xi32, #tpu.memory_space<vmem>>, vector<1x16xi32>,
        %get3A_656 = vector.shape_cast %get3A_655 : vector<1x16xi32> to vector<16xi32>
        %sub3A_657 = vector.broadcast %mul3A_4 : i32 to vector<16xi32>
        %sub3A_658 = arith.subi %get3A_656, %sub3A_657 : vector<16xi32>
        %ge3A_659 = arith.constant 0 : i32
        %ge3A_660 = vector.broadcast %ge3A_659 : i32 to vector<16xi32>
        %ge3A_661 = arith.cmpi sge, %sub3A_658, %ge3A_660 : vector<16xi32>
        %lt3A_662 = arith.constant 5000 : i32
        %lt3A_663 = vector.broadcast %lt3A_662 : i32 to vector<16xi32>
        %lt3A_664 = arith.cmpi slt, %sub3A_658, %lt3A_663 : vector<16xi32>
        %and3A_665 = arith.andi %ge3A_661, %lt3A_664 : vector<16xi1>
        %select_n3A_666 = arith.select %and3A_665, %sub3A_658, %broadcast_in_dim3A_85 : vector<16xi1>, vector<16xi32>
        %swap3A_667 = arith.constant 3 : i32
        %swap3A_668 = arith.index_cast %swap3A_667 : i32 to index
        %swap3A_669 = arith.constant 32 : index
        %swap3A_670 = tpu.vector_load %arg9[%swap3A_668, %swap3A_669] {strides = array<i32>} : memref<4x128xi32, #tpu.memory_space<vmem>>, vector<1x16xi32>,
        %swap3A_671 = vector.shape_cast %swap3A_670 : vector<1x16xi32> to vector<16xi32>
        %swap3A_672 = vector.shape_cast %select_n3A_666 : vector<16xi32> to vector<1x16xi32>
        tpu.vector_store %arg9[%swap3A_668, %swap3A_669], %swap3A_672 {strides = array<i32>} : memref<4x128xi32, #tpu.memory_space<vmem>>, vector<1x16xi32>,
        %add3A_673 = arith.constant 3 : i32
        %add3A_674 = arith.addi %mul3A_28, %add3A_673 : i32
        %get3A_675 = arith.index_cast %add3A_674 : i32 to index
        %get3A_676 = arith.constant 48 : index
        %get3A_677 = tpu.vector_load %arg8[%get3A_675, %get3A_676] {strides = array<i32>} : memref<40x128xi32, #tpu.memory_space<vmem>>, vector<1x16xi32>,
        %get3A_678 = vector.shape_cast %get3A_677 : vector<1x16xi32> to vector<16xi32>
        %sub3A_679 = vector.broadcast %mul3A_4 : i32 to vector<16xi32>
        %sub3A_680 = arith.subi %get3A_678, %sub3A_679 : vector<16xi32>
        %ge3A_681 = arith.constant 0 : i32
        %ge3A_682 = vector.broadcast %ge3A_681 : i32 to vector<16xi32>
        %ge3A_683 = arith.cmpi sge, %sub3A_680, %ge3A_682 : vector<16xi32>
        %lt3A_684 = arith.constant 5000 : i32
        %lt3A_685 = vector.broadcast %lt3A_684 : i32 to vector<16xi32>
        %lt3A_686 = arith.cmpi slt, %sub3A_680, %lt3A_685 : vector<16xi32>
        %and3A_687 = arith.andi %ge3A_683, %lt3A_686 : vector<16xi1>
        %select_n3A_688 = arith.select %and3A_687, %sub3A_680, %broadcast_in_dim3A_85 : vector<16xi1>, vector<16xi32>
        %swap3A_689 = arith.constant 3 : i32
        %swap3A_690 = arith.index_cast %swap3A_689 : i32 to index
        %swap3A_691 = arith.constant 48 : index
        %swap3A_692 = tpu.vector_load %arg9[%swap3A_690, %swap3A_691] {strides = array<i32>} : memref<4x128xi32, #tpu.memory_space<vmem>>, vector<1x16xi32>,
        %swap3A_693 = vector.shape_cast %swap3A_692 : vector<1x16xi32> to vector<16xi32>
        %swap3A_694 = vector.shape_cast %select_n3A_688 : vector<16xi32> to vector<1x16xi32>
        tpu.vector_store %arg9[%swap3A_690, %swap3A_691], %swap3A_694 {strides = array<i32>} : memref<4x128xi32, #tpu.memory_space<vmem>>, vector<1x16xi32>,
        %add3A_695 = arith.constant 3 : i32
        %add3A_696 = arith.addi %mul3A_28, %add3A_695 : i32
        %get3A_697 = arith.index_cast %add3A_696 : i32 to index
        %get3A_698 = arith.constant 64 : index
        %get3A_699 = tpu.vector_load %arg8[%get3A_697, %get3A_698] {strides = array<i32>} : memref<40x128xi32, #tpu.memory_space<vmem>>, vector<1x16xi32>,
        %get3A_700 = vector.shape_cast %get3A_699 : vector<1x16xi32> to vector<16xi32>
        %sub3A_701 = vector.broadcast %mul3A_4 : i32 to vector<16xi32>
        %sub3A_702 = arith.subi %get3A_700, %sub3A_701 : vector<16xi32>
        %ge3A_703 = arith.constant 0 : i32
        %ge3A_704 = vector.broadcast %ge3A_703 : i32 to vector<16xi32>
        %ge3A_705 = arith.cmpi sge, %sub3A_702, %ge3A_704 : vector<16xi32>
        %lt3A_706 = arith.constant 5000 : i32
        %lt3A_707 = vector.broadcast %lt3A_706 : i32 to vector<16xi32>
        %lt3A_708 = arith.cmpi slt, %sub3A_702, %lt3A_707 : vector<16xi32>
        %and3A_709 = arith.andi %ge3A_705, %lt3A_708 : vector<16xi1>
        %select_n3A_710 = arith.select %and3A_709, %sub3A_702, %broadcast_in_dim3A_85 : vector<16xi1>, vector<16xi32>
        %swap3A_711 = arith.constant 3 : i32
        %swap3A_712 = arith.index_cast %swap3A_711 : i32 to index
        %swap3A_713 = arith.constant 64 : index
        %swap3A_714 = tpu.vector_load %arg9[%swap3A_712, %swap3A_713] {strides = array<i32>} : memref<4x128xi32, #tpu.memory_space<vmem>>, vector<1x16xi32>,
        %swap3A_715 = vector.shape_cast %swap3A_714 : vector<1x16xi32> to vector<16xi32>
        %swap3A_716 = vector.shape_cast %select_n3A_710 : vector<16xi32> to vector<1x16xi32>
        tpu.vector_store %arg9[%swap3A_712, %swap3A_713], %swap3A_716 {strides = array<i32>} : memref<4x128xi32, #tpu.memory_space<vmem>>, vector<1x16xi32>,
        %add3A_717 = arith.constant 3 : i32
        %add3A_718 = arith.addi %mul3A_28, %add3A_717 : i32
        %get3A_719 = arith.index_cast %add3A_718 : i32 to index
        %get3A_720 = arith.constant 80 : index
        %get3A_721 = tpu.vector_load %arg8[%get3A_719, %get3A_720] {strides = array<i32>} : memref<40x128xi32, #tpu.memory_space<vmem>>, vector<1x16xi32>,
        %get3A_722 = vector.shape_cast %get3A_721 : vector<1x16xi32> to vector<16xi32>
        %sub3A_723 = vector.broadcast %mul3A_4 : i32 to vector<16xi32>
        %sub3A_724 = arith.subi %get3A_722, %sub3A_723 : vector<16xi32>
        %ge3A_725 = arith.constant 0 : i32
        %ge3A_726 = vector.broadcast %ge3A_725 : i32 to vector<16xi32>
        %ge3A_727 = arith.cmpi sge, %sub3A_724, %ge3A_726 : vector<16xi32>
        %lt3A_728 = arith.constant 5000 : i32
        %lt3A_729 = vector.broadcast %lt3A_728 : i32 to vector<16xi32>
        %lt3A_730 = arith.cmpi slt, %sub3A_724, %lt3A_729 : vector<16xi32>
        %and3A_731 = arith.andi %ge3A_727, %lt3A_730 : vector<16xi1>
        %select_n3A_732 = arith.select %and3A_731, %sub3A_724, %broadcast_in_dim3A_85 : vector<16xi1>, vector<16xi32>
        %swap3A_733 = arith.constant 3 : i32
        %swap3A_734 = arith.index_cast %swap3A_733 : i32 to index
        %swap3A_735 = arith.constant 80 : index
        %swap3A_736 = tpu.vector_load %arg9[%swap3A_734, %swap3A_735] {strides = array<i32>} : memref<4x128xi32, #tpu.memory_space<vmem>>, vector<1x16xi32>,
        %swap3A_737 = vector.shape_cast %swap3A_736 : vector<1x16xi32> to vector<16xi32>
        %swap3A_738 = vector.shape_cast %select_n3A_732 : vector<16xi32> to vector<1x16xi32>
        tpu.vector_store %arg9[%swap3A_734, %swap3A_735], %swap3A_738 {strides = array<i32>} : memref<4x128xi32, #tpu.memory_space<vmem>>, vector<1x16xi32>,
        %add3A_739 = arith.constant 3 : i32
        %add3A_740 = arith.addi %mul3A_28, %add3A_739 : i32
        %get3A_741 = arith.index_cast %add3A_740 : i32 to index
        %get3A_742 = arith.constant 96 : index
        %get3A_743 = tpu.vector_load %arg8[%get3A_741, %get3A_742] {strides = array<i32>} : memref<40x128xi32, #tpu.memory_space<vmem>>, vector<1x16xi32>,
        %get3A_744 = vector.shape_cast %get3A_743 : vector<1x16xi32> to vector<16xi32>
        %sub3A_745 = vector.broadcast %mul3A_4 : i32 to vector<16xi32>
        %sub3A_746 = arith.subi %get3A_744, %sub3A_745 : vector<16xi32>
        %ge3A_747 = arith.constant 0 : i32
        %ge3A_748 = vector.broadcast %ge3A_747 : i32 to vector<16xi32>
        %ge3A_749 = arith.cmpi sge, %sub3A_746, %ge3A_748 : vector<16xi32>
        %lt3A_750 = arith.constant 5000 : i32
        %lt3A_751 = vector.broadcast %lt3A_750 : i32 to vector<16xi32>
        %lt3A_752 = arith.cmpi slt, %sub3A_746, %lt3A_751 : vector<16xi32>
        %and3A_753 = arith.andi %ge3A_749, %lt3A_752 : vector<16xi1>
        %select_n3A_754 = arith.select %and3A_753, %sub3A_746, %broadcast_in_dim3A_85 : vector<16xi1>, vector<16xi32>
        %swap3A_755 = arith.constant 3 : i32
        %swap3A_756 = arith.index_cast %swap3A_755 : i32 to index
        %swap3A_757 = arith.constant 96 : index
        %swap3A_758 = tpu.vector_load %arg9[%swap3A_756, %swap3A_757] {strides = array<i32>} : memref<4x128xi32, #tpu.memory_space<vmem>>, vector<1x16xi32>,
        %swap3A_759 = vector.shape_cast %swap3A_758 : vector<1x16xi32> to vector<16xi32>
        %swap3A_760 = vector.shape_cast %select_n3A_754 : vector<16xi32> to vector<1x16xi32>
        tpu.vector_store %arg9[%swap3A_756, %swap3A_757], %swap3A_760 {strides = array<i32>} : memref<4x128xi32, #tpu.memory_space<vmem>>, vector<1x16xi32>,
        %add3A_761 = arith.constant 3 : i32
        %add3A_762 = arith.addi %mul3A_28, %add3A_761 : i32
        %get3A_763 = arith.index_cast %add3A_762 : i32 to index
        %get3A_764 = arith.constant 112 : index
        %get3A_765 = tpu.vector_load %arg8[%get3A_763, %get3A_764] {strides = array<i32>} : memref<40x128xi32, #tpu.memory_space<vmem>>, vector<1x16xi32>,
        %get3A_766 = vector.shape_cast %get3A_765 : vector<1x16xi32> to vector<16xi32>
        %sub3A_767 = vector.broadcast %mul3A_4 : i32 to vector<16xi32>
        %sub3A_768 = arith.subi %get3A_766, %sub3A_767 : vector<16xi32>
        %ge3A_769 = arith.constant 0 : i32
        %ge3A_770 = vector.broadcast %ge3A_769 : i32 to vector<16xi32>
        %ge3A_771 = arith.cmpi sge, %sub3A_768, %ge3A_770 : vector<16xi32>
        %lt3A_772 = arith.constant 5000 : i32
        %lt3A_773 = vector.broadcast %lt3A_772 : i32 to vector<16xi32>
        %lt3A_774 = arith.cmpi slt, %sub3A_768, %lt3A_773 : vector<16xi32>
        %and3A_775 = arith.andi %ge3A_771, %lt3A_774 : vector<16xi1>
        %select_n3A_776 = arith.select %and3A_775, %sub3A_768, %broadcast_in_dim3A_85 : vector<16xi1>, vector<16xi32>
        %swap3A_777 = arith.constant 3 : i32
        %swap3A_778 = arith.index_cast %swap3A_777 : i32 to index
        %swap3A_779 = arith.constant 112 : index
        %swap3A_780 = tpu.vector_load %arg9[%swap3A_778, %swap3A_779] {strides = array<i32>} : memref<4x128xi32, #tpu.memory_space<vmem>>, vector<1x16xi32>,
        %swap3A_781 = vector.shape_cast %swap3A_780 : vector<1x16xi32> to vector<16xi32>
        %swap3A_782 = vector.shape_cast %select_n3A_776 : vector<16xi32> to vector<1x16xi32>
        tpu.vector_store %arg9[%swap3A_778, %swap3A_779], %swap3A_782 {strides = array<i32>} : memref<4x128xi32, #tpu.memory_space<vmem>>, vector<1x16xi32>,
        %dma_wait3A = arith.constant 0 : i32
        %dma_wait3A_783 = arith.constant 0 : i32
        %dma_wait3A_784 = arith.constant 0 : i32
        %dma_wait3A_785 = tpu.memref_slice %arg10[%dma_wait3A, %dma_wait3A_783, %dma_wait3A_784] : memref<4x128x128xf32, #tpu.memory_space<vmem>> -> memref<1x128x128xf32, #tpu.memory_space<vmem>>
        %dma_wait3A_786 = tpu.memref_squeeze %dma_wait3A_785 : memref<1x128x128xf32, #tpu.memory_space<vmem>> -> memref<128x128xf32, #tpu.memory_space<vmem>>
        %dma_wait3A_787 = arith.constant 0 : i32
        %dma_wait3A_788 = tpu.memref_slice %arg7[%add3A_35, %dma_wait3A_787] : memref<40x128xi32, #tpu.memory_space<vmem>> -> memref<1x128xi32, #tpu.memory_space<vmem>>
        %dma_wait3A_789 = tpu.memref_squeeze %dma_wait3A_788 : memref<1x128xi32, #tpu.memory_space<vmem>> -> memref<128xi32, #tpu.memory_space<vmem>>
        %dma_wait3A_790 = arith.constant 0 : i32
        %dma_wait3A_791 = arith.constant 0 : i32
        %dma_wait3A_792 = tpu.memref_slice %arg2[%dma_wait3A_790, %dma_wait3A_791] : memref<5120x128xf32, #tpu.memory_space<hbm>> -> memref<5120x128xf32, #tpu.memory_space<hbm>>
        tpu.wait_indirect_dma semaphore(%arg12 : memref<!tpu.dma_semaphore, #tpu.memory_space<semaphore_mem>>) src(%dma_wait3A_792 : memref<5120x128xf32, #tpu.memory_space<hbm>>) dst(%dma_wait3A_786 : memref<128x128xf32, #tpu.memory_space<vmem>>)
        %dma_wait3A_793 = arith.constant 1 : i32
        %dma_wait3A_794 = arith.constant 0 : i32
        %dma_wait3A_795 = arith.constant 0 : i32
        %dma_wait3A_796 = tpu.memref_slice %arg10[%dma_wait3A_793, %dma_wait3A_794, %dma_wait3A_795] : memref<4x128x128xf32, #tpu.memory_space<vmem>> -> memref<1x128x128xf32, #tpu.memory_space<vmem>>
        %dma_wait3A_797 = tpu.memref_squeeze %dma_wait3A_796 : memref<1x128x128xf32, #tpu.memory_space<vmem>> -> memref<128x128xf32, #tpu.memory_space<vmem>>
        %dma_wait3A_798 = arith.constant 0 : i32
        %dma_wait3A_799 = tpu.memref_slice %arg7[%add3A_47, %dma_wait3A_798] : memref<40x128xi32, #tpu.memory_space<vmem>> -> memref<1x128xi32, #tpu.memory_space<vmem>>
        %dma_wait3A_800 = tpu.memref_squeeze %dma_wait3A_799 : memref<1x128xi32, #tpu.memory_space<vmem>> -> memref<128xi32, #tpu.memory_space<vmem>>
        %dma_wait3A_801 = arith.constant 0 : i32
        %dma_wait3A_802 = arith.constant 0 : i32
        %dma_wait3A_803 = tpu.memref_slice %arg2[%dma_wait3A_801, %dma_wait3A_802] : memref<5120x128xf32, #tpu.memory_space<hbm>> -> memref<5120x128xf32, #tpu.memory_space<hbm>>
        tpu.wait_indirect_dma semaphore(%arg13 : memref<!tpu.dma_semaphore, #tpu.memory_space<semaphore_mem>>) src(%dma_wait3A_803 : memref<5120x128xf32, #tpu.memory_space<hbm>>) dst(%dma_wait3A_797 : memref<128x128xf32, #tpu.memory_space<vmem>>)
        %dma_wait3A_804 = arith.constant 2 : i32
        %dma_wait3A_805 = arith.constant 0 : i32
        %dma_wait3A_806 = arith.constant 0 : i32
        %dma_wait3A_807 = tpu.memref_slice %arg10[%dma_wait3A_804, %dma_wait3A_805, %dma_wait3A_806] : memref<4x128x128xf32, #tpu.memory_space<vmem>> -> memref<1x128x128xf32, #tpu.memory_space<vmem>>
        %dma_wait3A_808 = tpu.memref_squeeze %dma_wait3A_807 : memref<1x128x128xf32, #tpu.memory_space<vmem>> -> memref<128x128xf32, #tpu.memory_space<vmem>>
        %dma_wait3A_809 = arith.constant 0 : i32
        %dma_wait3A_810 = tpu.memref_slice %arg7[%add3A_60, %dma_wait3A_809] : memref<40x128xi32, #tpu.memory_space<vmem>> -> memref<1x128xi32, #tpu.memory_space<vmem>>
        %dma_wait3A_811 = tpu.memref_squeeze %dma_wait3A_810 : memref<1x128xi32, #tpu.memory_space<vmem>> -> memref<128xi32, #tpu.memory_space<vmem>>
        %dma_wait3A_812 = arith.constant 0 : i32
        %dma_wait3A_813 = arith.constant 0 : i32
        %dma_wait3A_814 = tpu.memref_slice %arg2[%dma_wait3A_812, %dma_wait3A_813] : memref<5120x128xf32, #tpu.memory_space<hbm>> -> memref<5120x128xf32, #tpu.memory_space<hbm>>
        tpu.wait_indirect_dma semaphore(%arg14 : memref<!tpu.dma_semaphore, #tpu.memory_space<semaphore_mem>>) src(%dma_wait3A_814 : memref<5120x128xf32, #tpu.memory_space<hbm>>) dst(%dma_wait3A_808 : memref<128x128xf32, #tpu.memory_space<vmem>>)
        %dma_wait3A_815 = arith.constant 3 : i32
        %dma_wait3A_816 = arith.constant 0 : i32
        %dma_wait3A_817 = arith.constant 0 : i32
        %dma_wait3A_818 = tpu.memref_slice %arg10[%dma_wait3A_815, %dma_wait3A_816, %dma_wait3A_817] : memref<4x128x128xf32, #tpu.memory_space<vmem>> -> memref<1x128x128xf32, #tpu.memory_space<vmem>>
        %dma_wait3A_819 = tpu.memref_squeeze %dma_wait3A_818 : memref<1x128x128xf32, #tpu.memory_space<vmem>> -> memref<128x128xf32, #tpu.memory_space<vmem>>
        %dma_wait3A_820 = arith.constant 0 : i32
        %dma_wait3A_821 = tpu.memref_slice %arg7[%add3A_73, %dma_wait3A_820] : memref<40x128xi32, #tpu.memory_space<vmem>> -> memref<1x128xi32, #tpu.memory_space<vmem>>
        %dma_wait3A_822 = tpu.memref_squeeze %dma_wait3A_821 : memref<1x128xi32, #tpu.memory_space<vmem>> -> memref<128xi32, #tpu.memory_space<vmem>>
        %dma_wait3A_823 = arith.constant 0 : i32
        %dma_wait3A_824 = arith.constant 0 : i32
        %dma_wait3A_825 = tpu.memref_slice %arg2[%dma_wait3A_823, %dma_wait3A_824] : memref<5120x128xf32, #tpu.memory_space<hbm>> -> memref<5120x128xf32, #tpu.memory_space<hbm>>
        tpu.wait_indirect_dma semaphore(%arg15 : memref<!tpu.dma_semaphore, #tpu.memory_space<semaphore_mem>>) src(%dma_wait3A_825 : memref<5120x128xf32, #tpu.memory_space<hbm>>) dst(%dma_wait3A_819 : memref<128x128xf32, #tpu.memory_space<vmem>>)
      }
      %scan3A_25 = arith.constant 10 : i32
    }
    %scan3A_9 = arith.constant 4 : i32
    %barrier3A_10 = arith.constant 0 : index
    tpu.barrier barrier_id(%barrier3A_10)
    %mul3A_11 = arith.constant 320 : i32
    %mul3A_12 = arith.muli %arg1, %mul3A_11 : i32
    %mul3A_13 = arith.constant 320 : i32
    %mul3A_14 = arith.muli %arg1, %mul3A_13 : i32
    "tpu.region"() ({
      %run_scoped3A = tpu.sem_alloc : memref<!tpu.dma_semaphore, #tpu.memory_space<semaphore_mem>>
      %dma_start3A = arith.constant 0 : i32
      %dma_start3A_15 = tpu.memref_slice %arg6[%arg0, %mul3A_14, %dma_start3A] : memref<2x5120x128xf32, #tpu.memory_space<hbm>> -> memref<1x320x128xf32, #tpu.memory_space<hbm>>
      %dma_start3A_16 = tpu.memref_squeeze %dma_start3A_15 : memref<1x320x128xf32, #tpu.memory_space<hbm>> -> memref<320x128xf32, #tpu.memory_space<hbm>>
      %dma_start3A_17 = arith.constant 0 : i32
      %dma_start3A_18 = tpu.memref_slice %arg11[%mul3A_12, %dma_start3A_17] : memref<5120x128xf32, #tpu.memory_space<vmem_shared>> -> memref<320x128xf32, #tpu.memory_space<vmem_shared>>
      tpu.enqueue_dma source(%dma_start3A_18 : memref<320x128xf32, #tpu.memory_space<vmem_shared>>) target(%dma_start3A_16 : memref<320x128xf32, #tpu.memory_space<hbm>>) target_semaphore(%run_scoped3A : memref<!tpu.dma_semaphore, #tpu.memory_space<semaphore_mem>>)
      %dma_wait3A = arith.constant 0 : i32
      %dma_wait3A_19 = tpu.memref_slice %arg6[%arg0, %mul3A_14, %dma_wait3A] : memref<2x5120x128xf32, #tpu.memory_space<hbm>> -> memref<1x320x128xf32, #tpu.memory_space<hbm>>
      %dma_wait3A_20 = tpu.memref_squeeze %dma_wait3A_19 : memref<1x320x128xf32, #tpu.memory_space<hbm>> -> memref<320x128xf32, #tpu.memory_space<hbm>>
      %dma_wait3A_21 = arith.constant 0 : i32
      %dma_wait3A_22 = tpu.memref_slice %arg11[%mul3A_12, %dma_wait3A_21] : memref<5120x128xf32, #tpu.memory_space<vmem_shared>> -> memref<320x128xf32, #tpu.memory_space<vmem_shared>>
      tpu.wait_dma2 semaphore(%run_scoped3A : memref<!tpu.dma_semaphore, #tpu.memory_space<semaphore_mem>>) src(%dma_wait3A_22 : memref<320x128xf32, #tpu.memory_space<vmem_shared>>) dst(%dma_wait3A_20 : memref<320x128xf32, #tpu.memory_space<hbm>>)
      tpu.yield
    }) : () -> ()
    return
  }
}

#map = affine_map<(d0, d1) -> (0, 0)>
#map1 = affine_map<(d0, d1) -> (0, 0, 0)>
module attributes {stable_mosaic.version = 14 : i64} {
  func.func @_seg_a(%arg0: i32, %arg1: i32, %arg2: memref<5120x128xf32, #tpu.memory_space<hbm>>, %arg3: memref<2560x128xi32, #tpu.memory_space<hbm>>, %arg4: memref<2560x128xi32, #tpu.memory_space<hbm>>, %arg5: memref<320x128xf32, #tpu.memory_space<hbm>>, %arg6: memref<2x5120x128xf32, #tpu.memory_space<hbm>>, %arg7: memref<40x128xi32, #tpu.memory_space<vmem>>, %arg8: memref<40x128xi32, #tpu.memory_space<vmem>>, %arg9: memref<4x128xi32, #tpu.memory_space<vmem>>, %arg10: memref<4x128x128xf32, #tpu.memory_space<vmem>>, %arg11: memref<5120x128xf32, #tpu.memory_space<vmem_shared>>, %arg12: memref<!tpu.dma_semaphore, #tpu.memory_space<semaphore_mem>>, %arg13: memref<!tpu.dma_semaphore, #tpu.memory_space<semaphore_mem>>, %arg14: memref<!tpu.dma_semaphore, #tpu.memory_space<semaphore_mem>>, %arg15: memref<!tpu.dma_semaphore, #tpu.memory_space<semaphore_mem>>, %arg16: memref<!tpu.dma_semaphore, #tpu.memory_space<semaphore_mem>>) attributes {dimension_semantics = [#tpu.dimension_semantics<core_parallel>, #tpu.dimension_semantics<subcore_parallel>], iteration_bounds = array<i64: 2, 16>, scalar_prefetch = 0 : i64, scratch_operands = 10 : i64, tpu.core_type = #tpu.core_type<sc_vector_subcore>, window_params = [{transform_indices = #map}, {transform_indices = #map}, {transform_indices = #map}, {transform_indices = #map}, {transform_indices = #map1}]} {
    %mul3A = arith.constant 2 : i32
    %mul3A_0 = arith.muli %arg1, %mul3A : i32
    %add3A = arith.addi %mul3A_0, %arg0 : i32
    %mul3A_1 = arith.constant 320 : i32
    %mul3A_2 = arith.muli %arg1, %mul3A_1 : i32
    "tpu.region"() ({
      %run_scoped3A = tpu.sem_alloc : memref<!tpu.dma_semaphore, #tpu.memory_space<semaphore_mem>>
      %dma_start3A = arith.constant 0 : i32
      %dma_start3A_15 = tpu.memref_slice %arg11[%mul3A_2, %dma_start3A] : memref<5120x128xf32, #tpu.memory_space<vmem_shared>> -> memref<320x128xf32, #tpu.memory_space<vmem_shared>>
      %dma_start3A_16 = arith.constant 0 : i32
      %dma_start3A_17 = arith.constant 0 : i32
      %dma_start3A_18 = tpu.memref_slice %arg5[%dma_start3A_16, %dma_start3A_17] : memref<320x128xf32, #tpu.memory_space<hbm>> -> memref<320x128xf32, #tpu.memory_space<hbm>>
      tpu.enqueue_dma source(%dma_start3A_18 : memref<320x128xf32, #tpu.memory_space<hbm>>) target(%dma_start3A_15 : memref<320x128xf32, #tpu.memory_space<vmem_shared>>) target_semaphore(%run_scoped3A : memref<!tpu.dma_semaphore, #tpu.memory_space<semaphore_mem>>)
      %dma_wait3A = arith.constant 0 : i32
      %dma_wait3A_19 = tpu.memref_slice %arg11[%mul3A_2, %dma_wait3A] : memref<5120x128xf32, #tpu.memory_space<vmem_shared>> -> memref<320x128xf32, #tpu.memory_space<vmem_shared>>
      %dma_wait3A_20 = arith.constant 0 : i32
      %dma_wait3A_21 = arith.constant 0 : i32
      %dma_wait3A_22 = tpu.memref_slice %arg5[%dma_wait3A_20, %dma_wait3A_21] : memref<320x128xf32, #tpu.memory_space<hbm>> -> memref<320x128xf32, #tpu.memory_space<hbm>>
      tpu.wait_dma2 semaphore(%run_scoped3A : memref<!tpu.dma_semaphore, #tpu.memory_space<semaphore_mem>>) src(%dma_wait3A_22 : memref<320x128xf32, #tpu.memory_space<hbm>>) dst(%dma_wait3A_19 : memref<320x128xf32, #tpu.memory_space<vmem_shared>>)
      tpu.yield
    }) : () -> ()
    %barrier3A = arith.constant 0 : index
    tpu.barrier barrier_id(%barrier3A)
    %mul3A_3 = arith.constant 80 : i32
    %mul3A_4 = arith.muli %add3A, %mul3A_3 : i32
    %scan3A = arith.constant 0 : i32
    %scan3A_5 = arith.constant 0 : i32
    %scan3A_6 = arith.constant 2 : i32
    %scan3A_7 = arith.addi %scan3A_5, %scan3A_6 : i32
    %scan3A_8 = arith.constant 1 : i32
    scf.for %scan3A_15 = %scan3A_5 to %scan3A_7 step %scan3A_8  : i32 {
      %gt3A = arith.constant 0 : i32
      %gt3A_16 = arith.cmpi sgt, %scan3A_15, %gt3A : i32
      %convert_element_type3A = arith.extui %gt3A_16 : i1 to i32
      %cond3A = arith.constant 0 : i32
      %cond3A_17 = arith.cmpi ne, %convert_element_type3A, %cond3A : i32
      scf.if %cond3A_17 {
      } else {
      }
      %mul3A_18 = arith.constant 40 : i32
      %mul3A_19 = arith.muli %scan3A_15, %mul3A_18 : i32
      %add3A_20 = arith.addi %mul3A_4, %mul3A_19 : i32
      "tpu.region"() ({
        %run_scoped3A = tpu.sem_alloc : memref<!tpu.dma_semaphore, #tpu.memory_space<semaphore_mem>>
        %dma_start3A = arith.constant 0 : i32
        %dma_start3A_27 = tpu.memref_slice %arg3[%add3A_20, %dma_start3A] : memref<2560x128xi32, #tpu.memory_space<hbm>> -> memref<40x128xi32, #tpu.memory_space<hbm>>
        %dma_start3A_28 = arith.constant 0 : i32
        %dma_start3A_29 = tpu.memref_slice %arg3[%add3A_20, %dma_start3A_28] : memref<2560x128xi32, #tpu.memory_space<hbm>> -> memref<40x128xi32, #tpu.memory_space<hbm>>
        tpu.enqueue_dma source(%dma_start3A_29 : memref<40x128xi32, #tpu.memory_space<hbm>>) target(%arg7 : memref<40x128xi32, #tpu.memory_space<vmem>>) target_semaphore(%run_scoped3A : memref<!tpu.dma_semaphore, #tpu.memory_space<semaphore_mem>>)
        %dma_wait3A = arith.constant 0 : i32
        %dma_wait3A_30 = tpu.memref_slice %arg3[%add3A_20, %dma_wait3A] : memref<2560x128xi32, #tpu.memory_space<hbm>> -> memref<40x128xi32, #tpu.memory_space<hbm>>
        %dma_wait3A_31 = arith.constant 0 : i32
        %dma_wait3A_32 = tpu.memref_slice %arg3[%add3A_20, %dma_wait3A_31] : memref<2560x128xi32, #tpu.memory_space<hbm>> -> memref<40x128xi32, #tpu.memory_space<hbm>>
        tpu.wait_dma2 semaphore(%run_scoped3A : memref<!tpu.dma_semaphore, #tpu.memory_space<semaphore_mem>>) src(%dma_wait3A_32 : memref<40x128xi32, #tpu.memory_space<hbm>>) dst(%arg7 : memref<40x128xi32, #tpu.memory_space<vmem>>)
        tpu.yield
      }) : () -> ()
      "tpu.region"() ({
        %run_scoped3A = tpu.sem_alloc : memref<!tpu.dma_semaphore, #tpu.memory_space<semaphore_mem>>
        %dma_start3A = arith.constant 0 : i32
        %dma_start3A_27 = tpu.memref_slice %arg4[%add3A_20, %dma_start3A] : memref<2560x128xi32, #tpu.memory_space<hbm>> -> memref<40x128xi32, #tpu.memory_space<hbm>>
        %dma_start3A_28 = arith.constant 0 : i32
        %dma_start3A_29 = tpu.memref_slice %arg4[%add3A_20, %dma_start3A_28] : memref<2560x128xi32, #tpu.memory_space<hbm>> -> memref<40x128xi32, #tpu.memory_space<hbm>>
        tpu.enqueue_dma source(%dma_start3A_29 : memref<40x128xi32, #tpu.memory_space<hbm>>) target(%arg8 : memref<40x128xi32, #tpu.memory_space<vmem>>) target_semaphore(%run_scoped3A : memref<!tpu.dma_semaphore, #tpu.memory_space<semaphore_mem>>)
        %dma_wait3A = arith.constant 0 : i32
        %dma_wait3A_30 = tpu.memref_slice %arg4[%add3A_20, %dma_wait3A] : memref<2560x128xi32, #tpu.memory_space<hbm>> -> memref<40x128xi32, #tpu.memory_space<hbm>>
        %dma_wait3A_31 = arith.constant 0 : i32
        %dma_wait3A_32 = tpu.memref_slice %arg4[%add3A_20, %dma_wait3A_31] : memref<2560x128xi32, #tpu.memory_space<hbm>> -> memref<40x128xi32, #tpu.memory_space<hbm>>
        tpu.wait_dma2 semaphore(%run_scoped3A : memref<!tpu.dma_semaphore, #tpu.memory_space<semaphore_mem>>) src(%dma_wait3A_32 : memref<40x128xi32, #tpu.memory_space<hbm>>) dst(%arg8 : memref<40x128xi32, #tpu.memory_space<vmem>>)
        tpu.yield
      }) : () -> ()
      %scan3A_21 = arith.constant 0 : i32
      %scan3A_22 = arith.constant 0 : i32
      %scan3A_23 = arith.constant 10 : i32
      %scan3A_24 = arith.addi %scan3A_22, %scan3A_23 : i32
      %scan3A_25 = arith.constant 1 : i32
      scf.for %scan3A_27 = %scan3A_22 to %scan3A_24 step %scan3A_25  : i32 {
        %mul3A_28 = arith.constant 4 : i32
        %mul3A_29 = arith.muli %scan3A_27, %mul3A_28 : i32
        %gt3A_30 = arith.constant 0 : i32
        %gt3A_31 = arith.cmpi sgt, %scan3A_27, %gt3A_30 : i32
        %convert_element_type3A_32 = arith.extui %gt3A_31 : i1 to i32
        %cond3A_33 = arith.constant 0 : i32
        %cond3A_34 = arith.cmpi ne, %convert_element_type3A_32, %cond3A_33 : i32
        scf.if %cond3A_34 {
        } else {
        }
        %add3A_35 = arith.constant 0 : i32
        %add3A_36 = arith.addi %mul3A_29, %add3A_35 : i32
        %dma_start3A = arith.constant 0 : i32
        %dma_start3A_37 = arith.constant 0 : i32
        %dma_start3A_38 = arith.constant 0 : i32
        %dma_start3A_39 = tpu.memref_slice %arg10[%dma_start3A, %dma_start3A_37, %dma_start3A_38] : memref<4x128x128xf32, #tpu.memory_space<vmem>> -> memref<1x128x128xf32, #tpu.memory_space<vmem>>
        %dma_start3A_40 = tpu.memref_squeeze %dma_start3A_39 : memref<1x128x128xf32, #tpu.memory_space<vmem>> -> memref<128x128xf32, #tpu.memory_space<vmem>>
        %dma_start3A_41 = arith.constant 0 : i32
        %dma_start3A_42 = tpu.memref_slice %arg7[%add3A_36, %dma_start3A_41] : memref<40x128xi32, #tpu.memory_space<vmem>> -> memref<1x128xi32, #tpu.memory_space<vmem>>
        %dma_start3A_43 = tpu.memref_squeeze %dma_start3A_42 : memref<1x128xi32, #tpu.memory_space<vmem>> -> memref<128xi32, #tpu.memory_space<vmem>>
        %dma_start3A_44 = arith.constant 0 : i32
        %dma_start3A_45 = arith.constant 0 : i32
        %dma_start3A_46 = tpu.memref_slice %arg2[%dma_start3A_44, %dma_start3A_45] : memref<5120x128xf32, #tpu.memory_space<hbm>> -> memref<5120x128xf32, #tpu.memory_space<hbm>>
        tpu.enqueue_indirect_dma source(%dma_start3A_46 : memref<5120x128xf32, #tpu.memory_space<hbm>>) target(%dma_start3A_40 : memref<128x128xf32, #tpu.memory_space<vmem>>) offsets(%dma_start3A_43 : memref<128xi32, #tpu.memory_space<vmem>>) semaphore(%arg12 : memref<!tpu.dma_semaphore, #tpu.memory_space<semaphore_mem>>)
        %add3A_47 = arith.constant 1 : i32
        %add3A_48 = arith.addi %mul3A_29, %add3A_47 : i32
        %dma_start3A_49 = arith.constant 1 : i32
        %dma_start3A_50 = arith.constant 0 : i32
        %dma_start3A_51 = arith.constant 0 : i32
        %dma_start3A_52 = tpu.memref_slice %arg10[%dma_start3A_49, %dma_start3A_50, %dma_start3A_51] : memref<4x128x128xf32, #tpu.memory_space<vmem>> -> memref<1x128x128xf32, #tpu.memory_space<vmem>>
        %dma_start3A_53 = tpu.memref_squeeze %dma_start3A_52 : memref<1x128x128xf32, #tpu.memory_space<vmem>> -> memref<128x128xf32, #tpu.memory_space<vmem>>
        %dma_start3A_54 = arith.constant 0 : i32
        %dma_start3A_55 = tpu.memref_slice %arg7[%add3A_48, %dma_start3A_54] : memref<40x128xi32, #tpu.memory_space<vmem>> -> memref<1x128xi32, #tpu.memory_space<vmem>>
        %dma_start3A_56 = tpu.memref_squeeze %dma_start3A_55 : memref<1x128xi32, #tpu.memory_space<vmem>> -> memref<128xi32, #tpu.memory_space<vmem>>
        %dma_start3A_57 = arith.constant 0 : i32
        %dma_start3A_58 = arith.constant 0 : i32
        %dma_start3A_59 = tpu.memref_slice %arg2[%dma_start3A_57, %dma_start3A_58] : memref<5120x128xf32, #tpu.memory_space<hbm>> -> memref<5120x128xf32, #tpu.memory_space<hbm>>
        tpu.enqueue_indirect_dma source(%dma_start3A_59 : memref<5120x128xf32, #tpu.memory_space<hbm>>) target(%dma_start3A_53 : memref<128x128xf32, #tpu.memory_space<vmem>>) offsets(%dma_start3A_56 : memref<128xi32, #tpu.memory_space<vmem>>) semaphore(%arg13 : memref<!tpu.dma_semaphore, #tpu.memory_space<semaphore_mem>>)
        %add3A_60 = arith.constant 2 : i32
        %add3A_61 = arith.addi %mul3A_29, %add3A_60 : i32
        %dma_start3A_62 = arith.constant 2 : i32
        %dma_start3A_63 = arith.constant 0 : i32
        %dma_start3A_64 = arith.constant 0 : i32
        %dma_start3A_65 = tpu.memref_slice %arg10[%dma_start3A_62, %dma_start3A_63, %dma_start3A_64] : memref<4x128x128xf32, #tpu.memory_space<vmem>> -> memref<1x128x128xf32, #tpu.memory_space<vmem>>
        %dma_start3A_66 = tpu.memref_squeeze %dma_start3A_65 : memref<1x128x128xf32, #tpu.memory_space<vmem>> -> memref<128x128xf32, #tpu.memory_space<vmem>>
        %dma_start3A_67 = arith.constant 0 : i32
        %dma_start3A_68 = tpu.memref_slice %arg7[%add3A_61, %dma_start3A_67] : memref<40x128xi32, #tpu.memory_space<vmem>> -> memref<1x128xi32, #tpu.memory_space<vmem>>
        %dma_start3A_69 = tpu.memref_squeeze %dma_start3A_68 : memref<1x128xi32, #tpu.memory_space<vmem>> -> memref<128xi32, #tpu.memory_space<vmem>>
        %dma_start3A_70 = arith.constant 0 : i32
        %dma_start3A_71 = arith.constant 0 : i32
        %dma_start3A_72 = tpu.memref_slice %arg2[%dma_start3A_70, %dma_start3A_71] : memref<5120x128xf32, #tpu.memory_space<hbm>> -> memref<5120x128xf32, #tpu.memory_space<hbm>>
        tpu.enqueue_indirect_dma source(%dma_start3A_72 : memref<5120x128xf32, #tpu.memory_space<hbm>>) target(%dma_start3A_66 : memref<128x128xf32, #tpu.memory_space<vmem>>) offsets(%dma_start3A_69 : memref<128xi32, #tpu.memory_space<vmem>>) semaphore(%arg14 : memref<!tpu.dma_semaphore, #tpu.memory_space<semaphore_mem>>)
        %add3A_73 = arith.constant 3 : i32
        %add3A_74 = arith.addi %mul3A_29, %add3A_73 : i32
        %dma_start3A_75 = arith.constant 3 : i32
        %dma_start3A_76 = arith.constant 0 : i32
        %dma_start3A_77 = arith.constant 0 : i32
        %dma_start3A_78 = tpu.memref_slice %arg10[%dma_start3A_75, %dma_start3A_76, %dma_start3A_77] : memref<4x128x128xf32, #tpu.memory_space<vmem>> -> memref<1x128x128xf32, #tpu.memory_space<vmem>>
        %dma_start3A_79 = tpu.memref_squeeze %dma_start3A_78 : memref<1x128x128xf32, #tpu.memory_space<vmem>> -> memref<128x128xf32, #tpu.memory_space<vmem>>
        %dma_start3A_80 = arith.constant 0 : i32
        %dma_start3A_81 = tpu.memref_slice %arg7[%add3A_74, %dma_start3A_80] : memref<40x128xi32, #tpu.memory_space<vmem>> -> memref<1x128xi32, #tpu.memory_space<vmem>>
        %dma_start3A_82 = tpu.memref_squeeze %dma_start3A_81 : memref<1x128xi32, #tpu.memory_space<vmem>> -> memref<128xi32, #tpu.memory_space<vmem>>
        %dma_start3A_83 = arith.constant 0 : i32
        %dma_start3A_84 = arith.constant 0 : i32
        %dma_start3A_85 = tpu.memref_slice %arg2[%dma_start3A_83, %dma_start3A_84] : memref<5120x128xf32, #tpu.memory_space<hbm>> -> memref<5120x128xf32, #tpu.memory_space<hbm>>
        tpu.enqueue_indirect_dma source(%dma_start3A_85 : memref<5120x128xf32, #tpu.memory_space<hbm>>) target(%dma_start3A_79 : memref<128x128xf32, #tpu.memory_space<vmem>>) offsets(%dma_start3A_82 : memref<128xi32, #tpu.memory_space<vmem>>) semaphore(%arg15 : memref<!tpu.dma_semaphore, #tpu.memory_space<semaphore_mem>>)
        %dma_wait3A = arith.constant 0 : i32
        %dma_wait3A_86 = arith.constant 0 : i32
        %dma_wait3A_87 = arith.constant 0 : i32
        %dma_wait3A_88 = tpu.memref_slice %arg10[%dma_wait3A, %dma_wait3A_86, %dma_wait3A_87] : memref<4x128x128xf32, #tpu.memory_space<vmem>> -> memref<1x128x128xf32, #tpu.memory_space<vmem>>
        %dma_wait3A_89 = tpu.memref_squeeze %dma_wait3A_88 : memref<1x128x128xf32, #tpu.memory_space<vmem>> -> memref<128x128xf32, #tpu.memory_space<vmem>>
        %dma_wait3A_90 = arith.constant 0 : i32
        %dma_wait3A_91 = tpu.memref_slice %arg7[%add3A_36, %dma_wait3A_90] : memref<40x128xi32, #tpu.memory_space<vmem>> -> memref<1x128xi32, #tpu.memory_space<vmem>>
        %dma_wait3A_92 = tpu.memref_squeeze %dma_wait3A_91 : memref<1x128xi32, #tpu.memory_space<vmem>> -> memref<128xi32, #tpu.memory_space<vmem>>
        %dma_wait3A_93 = arith.constant 0 : i32
        %dma_wait3A_94 = arith.constant 0 : i32
        %dma_wait3A_95 = tpu.memref_slice %arg2[%dma_wait3A_93, %dma_wait3A_94] : memref<5120x128xf32, #tpu.memory_space<hbm>> -> memref<5120x128xf32, #tpu.memory_space<hbm>>
        tpu.wait_indirect_dma semaphore(%arg12 : memref<!tpu.dma_semaphore, #tpu.memory_space<semaphore_mem>>) src(%dma_wait3A_95 : memref<5120x128xf32, #tpu.memory_space<hbm>>) dst(%dma_wait3A_89 : memref<128x128xf32, #tpu.memory_space<vmem>>)
        %dma_wait3A_96 = arith.constant 1 : i32
        %dma_wait3A_97 = arith.constant 0 : i32
        %dma_wait3A_98 = arith.constant 0 : i32
        %dma_wait3A_99 = tpu.memref_slice %arg10[%dma_wait3A_96, %dma_wait3A_97, %dma_wait3A_98] : memref<4x128x128xf32, #tpu.memory_space<vmem>> -> memref<1x128x128xf32, #tpu.memory_space<vmem>>
        %dma_wait3A_100 = tpu.memref_squeeze %dma_wait3A_99 : memref<1x128x128xf32, #tpu.memory_space<vmem>> -> memref<128x128xf32, #tpu.memory_space<vmem>>
        %dma_wait3A_101 = arith.constant 0 : i32
        %dma_wait3A_102 = tpu.memref_slice %arg7[%add3A_48, %dma_wait3A_101] : memref<40x128xi32, #tpu.memory_space<vmem>> -> memref<1x128xi32, #tpu.memory_space<vmem>>
        %dma_wait3A_103 = tpu.memref_squeeze %dma_wait3A_102 : memref<1x128xi32, #tpu.memory_space<vmem>> -> memref<128xi32, #tpu.memory_space<vmem>>
        %dma_wait3A_104 = arith.constant 0 : i32
        %dma_wait3A_105 = arith.constant 0 : i32
        %dma_wait3A_106 = tpu.memref_slice %arg2[%dma_wait3A_104, %dma_wait3A_105] : memref<5120x128xf32, #tpu.memory_space<hbm>> -> memref<5120x128xf32, #tpu.memory_space<hbm>>
        tpu.wait_indirect_dma semaphore(%arg13 : memref<!tpu.dma_semaphore, #tpu.memory_space<semaphore_mem>>) src(%dma_wait3A_106 : memref<5120x128xf32, #tpu.memory_space<hbm>>) dst(%dma_wait3A_100 : memref<128x128xf32, #tpu.memory_space<vmem>>)
        %dma_wait3A_107 = arith.constant 2 : i32
        %dma_wait3A_108 = arith.constant 0 : i32
        %dma_wait3A_109 = arith.constant 0 : i32
        %dma_wait3A_110 = tpu.memref_slice %arg10[%dma_wait3A_107, %dma_wait3A_108, %dma_wait3A_109] : memref<4x128x128xf32, #tpu.memory_space<vmem>> -> memref<1x128x128xf32, #tpu.memory_space<vmem>>
        %dma_wait3A_111 = tpu.memref_squeeze %dma_wait3A_110 : memref<1x128x128xf32, #tpu.memory_space<vmem>> -> memref<128x128xf32, #tpu.memory_space<vmem>>
        %dma_wait3A_112 = arith.constant 0 : i32
        %dma_wait3A_113 = tpu.memref_slice %arg7[%add3A_61, %dma_wait3A_112] : memref<40x128xi32, #tpu.memory_space<vmem>> -> memref<1x128xi32, #tpu.memory_space<vmem>>
        %dma_wait3A_114 = tpu.memref_squeeze %dma_wait3A_113 : memref<1x128xi32, #tpu.memory_space<vmem>> -> memref<128xi32, #tpu.memory_space<vmem>>
        %dma_wait3A_115 = arith.constant 0 : i32
        %dma_wait3A_116 = arith.constant 0 : i32
        %dma_wait3A_117 = tpu.memref_slice %arg2[%dma_wait3A_115, %dma_wait3A_116] : memref<5120x128xf32, #tpu.memory_space<hbm>> -> memref<5120x128xf32, #tpu.memory_space<hbm>>
        tpu.wait_indirect_dma semaphore(%arg14 : memref<!tpu.dma_semaphore, #tpu.memory_space<semaphore_mem>>) src(%dma_wait3A_117 : memref<5120x128xf32, #tpu.memory_space<hbm>>) dst(%dma_wait3A_111 : memref<128x128xf32, #tpu.memory_space<vmem>>)
        %dma_wait3A_118 = arith.constant 3 : i32
        %dma_wait3A_119 = arith.constant 0 : i32
        %dma_wait3A_120 = arith.constant 0 : i32
        %dma_wait3A_121 = tpu.memref_slice %arg10[%dma_wait3A_118, %dma_wait3A_119, %dma_wait3A_120] : memref<4x128x128xf32, #tpu.memory_space<vmem>> -> memref<1x128x128xf32, #tpu.memory_space<vmem>>
        %dma_wait3A_122 = tpu.memref_squeeze %dma_wait3A_121 : memref<1x128x128xf32, #tpu.memory_space<vmem>> -> memref<128x128xf32, #tpu.memory_space<vmem>>
        %dma_wait3A_123 = arith.constant 0 : i32
        %dma_wait3A_124 = tpu.memref_slice %arg7[%add3A_74, %dma_wait3A_123] : memref<40x128xi32, #tpu.memory_space<vmem>> -> memref<1x128xi32, #tpu.memory_space<vmem>>
        %dma_wait3A_125 = tpu.memref_squeeze %dma_wait3A_124 : memref<1x128xi32, #tpu.memory_space<vmem>> -> memref<128xi32, #tpu.memory_space<vmem>>
        %dma_wait3A_126 = arith.constant 0 : i32
        %dma_wait3A_127 = arith.constant 0 : i32
        %dma_wait3A_128 = tpu.memref_slice %arg2[%dma_wait3A_126, %dma_wait3A_127] : memref<5120x128xf32, #tpu.memory_space<hbm>> -> memref<5120x128xf32, #tpu.memory_space<hbm>>
        tpu.wait_indirect_dma semaphore(%arg15 : memref<!tpu.dma_semaphore, #tpu.memory_space<semaphore_mem>>) src(%dma_wait3A_128 : memref<5120x128xf32, #tpu.memory_space<hbm>>) dst(%dma_wait3A_122 : memref<128x128xf32, #tpu.memory_space<vmem>>)
      }
      %scan3A_26 = arith.constant 10 : i32
    }
    %scan3A_9 = arith.constant 2 : i32
    %barrier3A_10 = arith.constant 0 : index
    tpu.barrier barrier_id(%barrier3A_10)
    %mul3A_11 = arith.constant 320 : i32
    %mul3A_12 = arith.muli %arg1, %mul3A_11 : i32
    %mul3A_13 = arith.constant 320 : i32
    %mul3A_14 = arith.muli %arg1, %mul3A_13 : i32
    "tpu.region"() ({
      %run_scoped3A = tpu.sem_alloc : memref<!tpu.dma_semaphore, #tpu.memory_space<semaphore_mem>>
      %dma_start3A = arith.constant 0 : i32
      %dma_start3A_15 = tpu.memref_slice %arg6[%arg0, %mul3A_14, %dma_start3A] : memref<2x5120x128xf32, #tpu.memory_space<hbm>> -> memref<1x320x128xf32, #tpu.memory_space<hbm>>
      %dma_start3A_16 = tpu.memref_squeeze %dma_start3A_15 : memref<1x320x128xf32, #tpu.memory_space<hbm>> -> memref<320x128xf32, #tpu.memory_space<hbm>>
      %dma_start3A_17 = arith.constant 0 : i32
      %dma_start3A_18 = tpu.memref_slice %arg11[%mul3A_12, %dma_start3A_17] : memref<5120x128xf32, #tpu.memory_space<vmem_shared>> -> memref<320x128xf32, #tpu.memory_space<vmem_shared>>
      tpu.enqueue_dma source(%dma_start3A_18 : memref<320x128xf32, #tpu.memory_space<vmem_shared>>) target(%dma_start3A_16 : memref<320x128xf32, #tpu.memory_space<hbm>>) target_semaphore(%run_scoped3A : memref<!tpu.dma_semaphore, #tpu.memory_space<semaphore_mem>>)
      %dma_wait3A = arith.constant 0 : i32
      %dma_wait3A_19 = tpu.memref_slice %arg6[%arg0, %mul3A_14, %dma_wait3A] : memref<2x5120x128xf32, #tpu.memory_space<hbm>> -> memref<1x320x128xf32, #tpu.memory_space<hbm>>
      %dma_wait3A_20 = tpu.memref_squeeze %dma_wait3A_19 : memref<1x320x128xf32, #tpu.memory_space<hbm>> -> memref<320x128xf32, #tpu.memory_space<hbm>>
      %dma_wait3A_21 = arith.constant 0 : i32
      %dma_wait3A_22 = tpu.memref_slice %arg11[%mul3A_12, %dma_wait3A_21] : memref<5120x128xf32, #tpu.memory_space<vmem_shared>> -> memref<320x128xf32, #tpu.memory_space<vmem_shared>>
      tpu.wait_dma2 semaphore(%run_scoped3A : memref<!tpu.dma_semaphore, #tpu.memory_space<semaphore_mem>>) src(%dma_wait3A_22 : memref<320x128xf32, #tpu.memory_space<vmem_shared>>) dst(%dma_wait3A_20 : memref<320x128xf32, #tpu.memory_space<hbm>>)
      tpu.yield
    }) : () -> ()
    return
  }
}

module attributes {stable_mosaic.version = 14 : i64} {
  func.func @_mm_body(%arg0: i32, %arg1: memref<1000x128xf32, #tpu.memory_space<vmem>>, %arg2: memref<128x128xf32, #tpu.memory_space<vmem>>, %arg3: memref<1000x128xf32, #tpu.memory_space<vmem>>) attributes {dimension_semantics = [#tpu.dimension_semantics<arbitrary>], iteration_bounds = array<i64: 10>, scalar_prefetch = 0 : i64, scratch_operands = 0 : i64, tpu.core_type = #tpu.core_type<tc>, window_params = [{transform_indices = @transform_0, window_bounds = array<i64: 1000, 128>}, {pipeline_mode = #tpu.pipeline_mode<synchronous>, transform_indices = @transform_1, window_bounds = array<i64: 128, 128>}, {transform_indices = @transform_2, window_bounds = array<i64: 1000, 128>}]} {
    %get3A = arith.constant 0 : index
    %get3A_0 = arith.constant 0 : index
    %get3A_1 = vector.load %arg1[%get3A, %get3A_0] : memref<1000x128xf32, #tpu.memory_space<vmem>>, vector<1000x128xf32>
    %get3A_2 = arith.constant 0 : index
    %get3A_3 = arith.constant 0 : index
    %get3A_4 = vector.load %arg2[%get3A_2, %get3A_3] : memref<128x128xf32, #tpu.memory_space<vmem>>, vector<128x128xf32>
    %dot_general3A = arith.constant dense<0.000000e+00> : vector<1000x128xf32>
    %dot_general3A_5 = tpu.matmul %get3A_1, %get3A_4, %dot_general3A {dimension_numbers = #tpu.dot_dimension_numbers<[1], [0], [0], [1], [0, 0, 1, 1], [], []>, transpose_lhs_hint = false} : vector<1000x128xf32>, vector<128x128xf32>, vector<1000x128xf32> -> vector<1000x128xf32>
    %swap3A = arith.constant 0 : index
    %swap3A_6 = arith.constant 0 : index
    %swap3A_7 = vector.load %arg3[%swap3A, %swap3A_6] : memref<1000x128xf32, #tpu.memory_space<vmem>>, vector<1000x128xf32>
    tpu.vector_store %arg3[%swap3A, %swap3A_6], %dot_general3A_5 {strides = array<i32>} : memref<1000x128xf32, #tpu.memory_space<vmem>>, vector<1000x128xf32>,
    return
  }
  func.func @transform_0(%arg0: i32) -> (i32, i32) {
    %c0_i32 = arith.constant 0 : i32
    %c0_i32_0 = arith.constant 0 : i32
    return %arg0, %c0_i32 : i32, i32
  }
  func.func @transform_1(%arg0: i32) -> (i32, i32) {
    %c0_i32 = arith.constant 0 : i32
    %c0_i32_0 = arith.constant 0 : i32
    %c0_i32_1 = arith.constant 0 : i32
    return %c0_i32, %c0_i32_0 : i32, i32
  }
  func.func @transform_2(%arg0: i32) -> (i32, i32) {
    %c0_i32 = arith.constant 0 : i32
    %c0_i32_0 = arith.constant 0 : i32
    return %arg0, %c0_i32 : i32, i32
  }
}

module attributes {stable_mosaic.version = 14 : i64} {
  func.func @_add2_body(%arg0: i32, %arg1: memref<640x128xf32, #tpu.memory_space<vmem>>, %arg2: memref<640x128xf32, #tpu.memory_space<vmem>>, %arg3: memref<640x128xf32, #tpu.memory_space<vmem>>) attributes {dimension_semantics = [#tpu.dimension_semantics<arbitrary>], iteration_bounds = array<i64: 8>, scalar_prefetch = 0 : i64, scratch_operands = 0 : i64, tpu.core_type = #tpu.core_type<tc>, window_params = [{transform_indices = @transform_0, window_bounds = array<i64: 640, 128>}, {transform_indices = @transform_1, window_bounds = array<i64: 640, 128>}, {transform_indices = @transform_2, window_bounds = array<i64: 640, 128>}]} {
    %get3A = arith.constant 0 : index
    %get3A_0 = arith.constant 0 : index
    %get3A_1 = vector.load %arg1[%get3A, %get3A_0] : memref<640x128xf32, #tpu.memory_space<vmem>>, vector<640x128xf32>
    %get3A_2 = arith.constant 0 : index
    %get3A_3 = arith.constant 0 : index
    %get3A_4 = vector.load %arg2[%get3A_2, %get3A_3] : memref<640x128xf32, #tpu.memory_space<vmem>>, vector<640x128xf32>
    %add3A = arith.addf %get3A_1, %get3A_4 : vector<640x128xf32>
    %swap3A = arith.constant 0 : index
    %swap3A_5 = arith.constant 0 : index
    %swap3A_6 = vector.load %arg3[%swap3A, %swap3A_5] : memref<640x128xf32, #tpu.memory_space<vmem>>, vector<640x128xf32>
    tpu.vector_store %arg3[%swap3A, %swap3A_5], %add3A {strides = array<i32>} : memref<640x128xf32, #tpu.memory_space<vmem>>, vector<640x128xf32>,
    return
  }
  func.func @transform_0(%arg0: i32) -> (i32, i32) {
    %c0_i32 = arith.constant 0 : i32
    %c0_i32_0 = arith.constant 0 : i32
    return %arg0, %c0_i32 : i32, i32
  }
  func.func @transform_1(%arg0: i32) -> (i32, i32) {
    %c0_i32 = arith.constant 0 : i32
    %c0_i32_0 = arith.constant 0 : i32
    return %arg0, %c0_i32 : i32, i32
  }
  func.func @transform_2(%arg0: i32) -> (i32, i32) {
    %c0_i32 = arith.constant 0 : i32
    %c0_i32_0 = arith.constant 0 : i32
    return %arg0, %c0_i32 : i32, i32
  }
}

module attributes {stable_mosaic.version = 14 : i64} {
  func.func @_final_body(%arg0: i32, %arg1: memref<1000x128xf32, #tpu.memory_space<vmem>>, %arg2: memref<1000x128xf32, #tpu.memory_space<vmem>>, %arg3: memref<1x128xf32, #tpu.memory_space<vmem>>, %arg4: memref<1000x128xf32, #tpu.memory_space<vmem>>) attributes {dimension_semantics = [#tpu.dimension_semantics<arbitrary>], iteration_bounds = array<i64: 10>, scalar_prefetch = 0 : i64, scratch_operands = 0 : i64, tpu.core_type = #tpu.core_type<tc>, window_params = [{transform_indices = @transform_0, window_bounds = array<i64: 1000, 128>}, {transform_indices = @transform_1, window_bounds = array<i64: 1000, 128>}, {pipeline_mode = #tpu.pipeline_mode<synchronous>, transform_indices = @transform_2, window_bounds = array<i64: 1, 128>}, {transform_indices = @transform_3, window_bounds = array<i64: 1000, 128>}]} {
    %lt3A = arith.constant 5 : i32
    %lt3A_0 = arith.cmpi slt, %arg0, %lt3A : i32
    %get3A = arith.constant 0 : index
    %get3A_1 = arith.constant 0 : index
    %get3A_2 = vector.load %arg1[%get3A, %get3A_1] : memref<1000x128xf32, #tpu.memory_space<vmem>>, vector<1000x128xf32>
    %get3A_3 = arith.constant 0 : index
    %get3A_4 = arith.constant 0 : index
    %get3A_5 = vector.load %arg2[%get3A_3, %get3A_4] : memref<1000x128xf32, #tpu.memory_space<vmem>>, vector<1000x128xf32>
    %select_n3A = arith.select %lt3A_0, %get3A_2, %get3A_5 : vector<1000x128xf32>
    %get3A_6 = arith.constant 0 : index
    %get3A_7 = arith.constant 0 : index
    %get3A_8 = vector.load %arg3[%get3A_6, %get3A_7] : memref<1x128xf32, #tpu.memory_space<vmem>>, vector<1x128xf32>
    %add3A = vector.broadcast %get3A_8 : vector<1x128xf32> to vector<1000x128xf32>
    %add3A_9 = arith.addf %select_n3A, %add3A : vector<1000x128xf32>
    %swap3A = arith.constant 0 : index
    %swap3A_10 = arith.constant 0 : index
    %swap3A_11 = vector.load %arg4[%swap3A, %swap3A_10] : memref<1000x128xf32, #tpu.memory_space<vmem>>, vector<1000x128xf32>
    tpu.vector_store %arg4[%swap3A, %swap3A_10], %add3A_9 {strides = array<i32>} : memref<1000x128xf32, #tpu.memory_space<vmem>>, vector<1000x128xf32>,
    return
  }
  func.func @transform_0(%arg0: i32) -> (i32, i32) {
    %min3A = arith.constant 4 : i32
    %min3A_0 = arith.minsi %arg0, %min3A : i32
    %c0_i32 = arith.constant 0 : i32
    %c0_i32_1 = arith.constant 0 : i32
    return %min3A_0, %c0_i32 : i32, i32
  }
  func.func @transform_1(%arg0: i32) -> (i32, i32) {
    %sub3A = arith.constant 5 : i32
    %sub3A_0 = arith.subi %arg0, %sub3A : i32
    %max3A = arith.constant 0 : i32
    %max3A_1 = arith.maxsi %sub3A_0, %max3A : i32
    %c0_i32 = arith.constant 0 : i32
    %c0_i32_2 = arith.constant 0 : i32
    return %max3A_1, %c0_i32 : i32, i32
  }
  func.func @transform_2(%arg0: i32) -> (i32, i32) {
    %c0_i32 = arith.constant 0 : i32
    %c0_i32_0 = arith.constant 0 : i32
    %c0_i32_1 = arith.constant 0 : i32
    return %c0_i32, %c0_i32_0 : i32, i32
  }
  func.func @transform_3(%arg0: i32) -> (i32, i32) {
    %c0_i32 = arith.constant 0 : i32
    %c0_i32_0 = arith.constant 0 : i32
    return %arg0, %c0_i32 : i32, i32
  }
}

</mosaic_0001>

<sc_bundles>
// kernel: kernel.10.cloned.1.call-start
scs
__scs_entry_jumppad:
0x0: {  	(pc) =	sbr.rel $0x88, $3  }
0x1: {  	(tag) =	ssettag $0x0;
	lr =	simm.s32 $0x1  }
0x2: {  	[smem:$0x3F9C] =	sst lr;
	_ =	strace $0xD0000000  }
0x3: {  	_ = 	snop  }
0x4: {  	_ = 	snop  }
0x5: {  	_ = 	snop  }
0x6: {  	_ = 	snop  }
0x7: {  	_ = 	snop  }
__scs_overlays_trampoline_lowered:
0x8: {  	[smem:$0x3FAB] =	sst s0  }
0x9: {  	[smem:$0x3FAC] =	sst s1  }
0xa: {  	[smem:$0x3FAD] =	sst s2  }
0xb: {  	[smem:$0x3FAE] =	sst s3  }
0xc: {  	[smem:$0x3FAF] =	sst s4  }
0xd: {  	[smem:$0x3FB0] =	sst s5  }
0xe: {  	[smem:$0x3FB1] =	sst s6  }
0xf: {  	[smem:$0x3FB2] =	sst s7  }
0x10: {  	[smem:$0x3FB3] =	sst s8  }
0x11: {  	[smem:$0x3FB4] =	sst s9;
	s0 =	simm.s32 @!p0 $0x0  }
0x12: {  	s1 =	sld [smem:$0x3F9A];
	s0 =	simm.s32 @p0 $0x1  }
0x13: {  	[smem:$0x3FB5] =	sst s0;
	s0 =	simm.s32 @!p1 $0x0  }
0x14: {  	s2 =	sld [smem:$0x3F99];
	s0 =	simm.s32 @p1 $0x1  }
0x15: {  	[smem:$0x3FB6] =	sst s0;
	s0 =	simm.s32 @!p2 $0x0  }
0x16: {  	s3 =	sld [smem:$0x3FDB];
	s0 =	simm.s32 @p2 $0x1  }
0x17: {  	s4 =	simm.s32 $0x1BF5;
	[smem:$0x3FB8] =	sst s0  }
0x18: {  	s0 =	sld [smem:$0x3F9B];
	_ =	swait.ge [sflag:s4], $0x0  }
0x19: {  	s7 =	sld [smem:$0x3F9C]  }
0x1a: {  	s8 =	sadd.s32 $0xFFFFE003, lr  }
0x1b: {  	s9 =	sadd.s32 $0xFFFFFEF7, lr;
	s5 =	simm.s32 $0xFFFFFFFF;
	p2 =	slt.u32 s8, $0xFFFFF086  }
0x1c: {  	p1 =	slt.u32 s9, $0xF7A;
	s5 =	simm.s32 @!p2 $0x0  }
0x1d: {  	s5 =	simm.s32 @p1 $0x1;
	p0 =	seq.s32 s7, s2  }
0x1e: {  	s7 =	smul.u32 @!p0 $0xF7A, s2;
	p2 =	seq.s32 @!p0 s5, $0x0  }
0x1f: {  	s9 =	smul.u32 $0xF7A, s1;
	s8 =	simm.s32 @!p0 $0x1BF5;
	p2 =	por !p2, p0  }
0x20: {  	[sflag:s8] =	ssyncset.s32 @!p0 $0xFFFFF086;
	s6 =	sadd.s32 @!p0 s3, s7;
	s7 =	simm.s32 @!p0 $0x108  }
0x21: {  	s3 =	sadd.s32 s3, s9;
	s6 =	sadd.s32 @!p0 $0x88, s6;
	s7 =	simm.s32 @p2 $0x1082  }
0x22: {  	[simem:s7], [sflag:s8] =	dma.local @!p0 [hbm:s6], $0xF7A  }
0x23: {  	s9 =	sor.u32 $0xD0000000, s2;
	s6 =	simm.s32 $0x108;
	_ =	swait.ge @!p0 [sflag:s8], $0x0  }
0x24: {  	s3 =	sadd.s32 $0x88, s3;
	s6 =	simm.s32 @!p1 $0x1082;
	[sflag:s4] =	ssyncset.s32 $0xFFFFF086  }
0x25: {  	[simem:s6], [sflag:s4] =	dma.local [hbm:s3], $0xF7A  }
0x26: {  	[smem:$0x3F9C] =	sst s1;
	(tag) =	ssettag s2;
	_ =	strace s9  }
0x27: {  	s1 =	sld [smem:$0x3FAC]  }
0x28: {  	s2 =	sld [smem:$0x3FAD]  }
0x29: {  	s4 =	sld [smem:$0x3FAF]  }
0x2a: {  	p0 =	seq.s32 s5, $0x0;
	s5 =	sld [smem:$0x3FB0]  }
0x2b: {  	s6 =	sld [smem:$0x3FB1]  }
0x2c: {  	s7 =	sld [smem:$0x3FB2]  }
0x2d: {  	s3 =	simm.s32 $0x108;
	s8 =	sld [smem:$0x3FB3]  }
0x2e: {  	s3 =	simm.s32 @!p0 $0x1082;
	s9 =	sld [smem:$0x3FB4]  }
0x2f: {  	lr =	sadd.s32 s0, s3;
	s0 =	sld [smem:$0x3FAB]  }
0x30: {  	s3 =	sld [smem:$0x3FAE]  }
0x31: {  	[smem:$0x3FB7] =	sst s10  }
0x32: {  	s10 =	sld [smem:$0x3FB5];
	_ =	sdelay $0x3  }
0x33: {  	p0 =	seq.s32 s10, $0x1;
	s10 =	sld [smem:$0x3FB7];
	_ =	sdelay $0x3  }
0x34: {  	[smem:$0x3FB7] =	sst s10  }
0x35: {  	s10 =	sld [smem:$0x3FB6];
	_ =	sdelay $0x3  }
0x36: {  	p1 =	seq.s32 s10, $0x1;
	s10 =	sld [smem:$0x3FB7];
	_ =	sdelay $0x3  }
0x37: {  	[smem:$0x3FB7] =	sst s10  }
0x38: {  	s10 =	sld [smem:$0x3FB8]  }
0x39: {  	_ = 	snop;
	(pc) =	sbr.ind lr, $3  }
0x3a: {  	_ = 	snop  }
0x3b: {  	_ = 	snop  }
0x3c: {  	p2 =	seq.s32 s10, $0x1;
	s10 =	sld [smem:$0x3FB7]  }
0x3d: {  	_ =	shalt  }
0x3e: {  	_ =	shalt  }
0x3f: {  	_ =	shalt  }
0x40: {  	_ =	shalt  }
0x41: {  	_ =	shalt  }
0x42: {  	_ =	shalt  }
0x43: {  	_ =	shalt  }
0x44: {  	_ =	shalt  }
0x45: {  	_ =	shalt  }
0x46: {  	_ =	shalt  }
0x47: {  	_ =	shalt  }
0x48: {  	_ =	shalt  }
0x49: {  	_ =	shalt  }
0x4a: {  	_ =	shalt  }
0x4b: {  	_ =	shalt  }
0x4c: {  	_ =	shalt  }
0x4d: {  	_ =	shalt  }
0x4e: {  	_ =	shalt  }
0x4f: {  	_ =	shalt  }
0x50: {  	_ =	shalt  }
0x51: {  	_ =	shalt  }
0x52: {  	_ =	shalt  }
0x53: {  	_ =	shalt  }
0x54: {  	_ =	shalt  }
0x55: {  	_ =	shalt  }
0x56: {  	_ =	shalt  }
0x57: {  	_ =	shalt  }
0x58: {  	_ =	shalt  }
0x59: {  	_ =	shalt  }
0x5a: {  	_ =	shalt  }
0x5b: {  	_ =	shalt  }
0x5c: {  	_ =	shalt  }
0x5d: {  	_ =	shalt  }
0x5e: {  	_ =	shalt  }
0x5f: {  	_ =	shalt  }
0x60: {  	_ =	shalt  }
0x61: {  	_ =	shalt  }
0x62: {  	_ =	shalt  }
0x63: {  	_ =	shalt  }
0x64: {  	_ =	shalt  }
0x65: {  	_ =	shalt  }
0x66: {  	_ =	shalt  }
0x67: {  	_ =	shalt  }
0x68: {  	_ =	shalt  }
0x69: {  	_ =	shalt  }
0x6a: {  	_ =	shalt  }
0x6b: {  	_ =	shalt  }
0x6c: {  	_ =	shalt  }
0x6d: {  	_ =	shalt  }
0x6e: {  	_ =	shalt  }
0x6f: {  	_ =	shalt  }
0x70: {  	_ =	shalt  }
0x71: {  	_ =	shalt  }
0x72: {  	_ =	shalt  }
0x73: {  	_ =	shalt  }
0x74: {  	_ =	shalt  }
0x75: {  	_ =	shalt  }
0x76: {  	_ =	shalt  }
0x77: {  	_ =	shalt  }
0x78: {  	_ =	shalt  }
0x79: {  	_ =	shalt  }
0x7a: {  	_ =	shalt  }
0x7b: {  	_ =	shalt  }
0x7c: {  	_ =	shalt  }
0x7d: {  	_ =	shalt  }
0x7e: {  	_ =	shalt  }
0x7f: {  	_ =	shalt  }
0x80: {  	_ =	shalt  }
0x81: {  	_ =	shalt  }
0x82: {  	_ =	shalt  }
0x83: {  	_ =	shalt  }
0x84: {  	_ =	shalt  }
0x85: {  	_ =	shalt  }
0x86: {  	_ =	shalt  }
0x87: {  	_ =	shalt  }
.Lfunc_end0:
.L_simem_size_0:
called_computation.1_lowered:
.L_overlay_start_0:
0x88: {  	s2 =	sld [smem:$0x3FD9]  }
0x89: {  	s3 =	sld [smem:$0x3FFE];
	_ =	sdelay $0x1  }
0x8a: {  	s1 =	srdreg.scid  }
0x8b: {  	s0 =	sand.u32 $0x1, s1  }
0x8c: {  	s17 =	sshll.u32 s0, $0xA;
	s2 =	sadd.s32 s3, s2  }
0x8d: {  	s2 =	sadd.s32 s2, s17  }
0x8e: {  	[smem:$0x3FC3] =	sst s2  }
0x8f: {  	_ = 	snop  }
0x90: {  	s2 =	sld [smem:$0x3FD0];
	(tm) =	ssettm $0x1  }
0x91: {  	s18 =	sld [smem:$0x3FFB];
	_ =	sdelay $0x3  }
0x92: {  	_ =	strace s18  }
0x93: {  	s3 =	sld [smem:$0x3FFC];
	_ =	sdelay $0x3  }
0x94: {  	_ =	strace s3  }
0x95: {  	s3 =	sld [smem:$0x3FFD];
	_ =	sdelay $0x3  }
0x96: {  	_ =	strace s3  }
0x97: {  	_ =	strace $0x8FFFFFFF  }
0x98: {  	s19 =	sld [smem:$0x3FDB];
	_ =	sdelay $0x1  }
0x99: {  	s4 =	simm.s32 $_scs_section_size  }
0x9a: {  	s5 =	simm.s32 $_size__tile_overlayer_lowered;
	s6 =	simm.s32 $_tile_overlayer_lowered  }
0x9b: {  	s22 =	simm.s32 $0x1BFF;
	s21 =	sshll.u32 s6, $0x1;
	s3 =	sadd.s32 s4, s19  }
0x9c: {  	s7 =	simm.s32 $0x0;
	s20 =	sshll.u32 s5, $0x1;
	s5 =	sadd.s32 s21, s3  }
0x9d: {  	[timem:s7], [sflag:s22] =	dma.local [hbm:s5], s20  }
0x9e: {  	_ =	swait.ge [sflag:s22], s20  }
0x9f: {  	s4 =	ssub.s32 $0x0, s20;
	[sflag:s22] =	ssyncset.done $0x0  }
0xa0: {  	[sflag:s22] =	ssyncadd.s32 s4;
	_ =	sdelay $0x1  }
0xa1: {  	s23 =	simm.s32 $0x1B8B  }
0xa2: {  	_ =	swait.ge [sflag:s23], $0x1  }
0xa3: {  	[sflag:s23] =	ssyncset.done $0x0  }
0xa4: {  	s25 =	simm.s32 $0x1B8E;
	s24 =	sld [smem:$0x3FFE];
	[sflag:s23] =	ssyncadd.s32 $0xFFFFFFFF  }
0xa5: {  	s26 =	simm.s32 $execute0_lowered;
	[smem:$0x3FD2] =	sst s25  }
0xa6: {  	s5 =	sshll.u32 s26, $0x1;
	_ =	strace $0x80000049;
	[dreg:$0x1] =	wrdreg $0xFFFFFFFF  }
0xa7: {  	s28 =	simm.s32 $_size_execute0_lowered;
	s3 =	sadd.s32 s3, s5;
	[dreg:$0x0] =	wrdreg $0x0  }
0xa8: {  	s5 =	sshll.u32 s28, $0x1;
	[dreg:$0x2] =	wrdreg s3  }
0xa9: {  	[dreg:$0x3] =	wrdreg s5  }
0xaa: {  	[dreg:$0x4] =	wrdreg $0xC0  }
0xab: {  	_ =	task [dreg:s7], $0x5FFFF  }
0xac: {  	[dreg:$0x1] =	wrdreg $0xFFFFFFFF  }
0xad: {  	[dreg:$0x0] =	wrdreg $0x60  }
0xae: {  	[dreg:$0x2] =	wrdreg s2  }
0xaf: {  	[dreg:$0x3] =	wrdreg s24  }
0xb0: {  	[dreg:$0x4] =	wrdreg $0x12A000  }
0xb1: {  	[dreg:$0x5] =	wrdreg $0x9  }
0xb2: {  	_ =	task.clear_ibuf [dreg:s7], $0x6FFFF;
	_ =	strace $0x90000049  }
0xb3: {  	s29 =	simm.s32 $0x9;
	_ =	strace $0x8000004B  }
0xb4: {  	_ =	swait.ge [sflag:s29], $0x1  }
0xb5: {  	[sflag:s29] =	ssyncadd.s32 $0xFFFFFFFF  }
0xb6: {  	_ =	strace $0x9000004B  }
0xb7: {  	_ =	sfence  }
0xb8: {  	s30 =	sld [smem:$0x0];
	_ =	sdelay $0x2  }
0xb9: {  	s31 =	sshll.u32 s1, $0xD;
	s1 =	sshrl.u32 s1, $0x2  }
0xba: {  	s3 =	sand.u32 $0x4000, s31;
	s1 =	sadd.s32 s1, s30  }
0xbb: {  	s0 =	sor.u32 s3, s0;
	s1 =	sshll.u32 s1, $0x11  }
0xbc: {  	s0 =	sor.u32 s1, s0  }
0xbd: {  	s0 =	sadd.s32 $0x8F2B, s0  }
0xbe: {  	[sflag:s0] =	ssyncadd.remote.s32 $0x1  }
0xbf: {  	_ =	sfence.sel $0xFFFF  }
0xc0: {  	[dreg:$0x0] =	wrdreg $0xFFFFFFFF;
	(pc) =	sbr.abs _section_cstart, $3  }
0xc1: {  	[dreg:$0x1] =	wrdreg $0xFFFFFFFF  }
0xc2: {  	_ =	task.clear_ibuf [dreg:s7], $0x2FFFF;
	_ =	strace $0x9FFFFFFF  }
0xc3: {  	(tm) =	ssettm $0x7FFFFFFF  }
tec
execute0_lowered:
.L_overlay_start_1:
0x0: {  	(tag) =	ssettag $0x1  }
0x1: {  	s1 =	rddreg [dreg:$0x0]  }
0x2: {  	s7 =	rddreg [dreg:$0x1]  }
0x3: {  	s8 =	rddreg [dreg:$0x2]  }
0x4: {  	s2 =	srdreg.scid;
	s0 =	rddreg [dreg:$0x3];
	s3 =	simm.s32 $0x0  }
0x5: {  	s14 =	simm.s32 $0x80;
	s15 =	simm.s32 $0x2A00;
	s16 =	simm.s32 $0x6A00  }
0x6: {  	s17 =	simm.s32 $0xAA00;
	s18 =	simm.s32 $0xEA00;
	s19 =	simm.s32 $0x1  }
0x7: {  	s21 =	simm.s32 $0x3;
	s9 =	sand.u32 $0x1, s2;
	s2 =	stileid.u32  }
0x8: {  	s22 =	simm.s32 $0x4;
	[smem:$0x7FF] =	sst s3;
	s6 =	smul.u32 $0xA0000, s9  }
0x9: {  	s4 =	sadd.s32 $0x15A00, s7;
	s5 =	sadd.s32 $0xBA00, s7;
	s10 =	smul.u32 $0xA000, s2  }
0xa: {  	_ =	strace $0x8000004A;
	s11 =	ssub.s32 $0x2, s9;
	s12 =	smul.u32 $0x28000, s2  }
0xb: {  	s31 =	sshll.u32 s2, $0x6;
	s20 =	smul.u32 $0x1388, s9;
	s29 =	sshrl.u32 s11, $0x1  }
0xc: {  	s6 =	sadd.s32 s10, s6;
	s11 =	ssub.s32 s11, s29;
	s30 =	sshrl.u32 s12, $0x2  }
0xd: {  	s12 =	simm.s32 $0x5;
	v0 =	vmov s20;
	s20 =	simm.s32 $0x2;
	s10 =	sshrl.u32 s6, $0x3  }
0xe: {  	s6 =	sadd.s32 $0x1FA00, s7;
	s13 =	sadd.s32 s30, s8;
	s10 =	sadd.s32 s10, s7  }
0xf: {  	s8 =	smul.u32 $0xA0, s2;
	s7 =	sor.u32 $0x1C05, s31;
	s9 =	sadd.s32 $0x20E00, s10  }
0x10: {  	s10 =	smax.u32 s11, $0x1;
	s11 =	sshrl.u32 s13, $0x3;
	s13 =	simm.s32 $0x1400  }
.LBB2_1:
0x11: {  	[spmem:s11], [sflag:s7] =	dma.local [hbm:s6], $0x1400  }
0x12: {  	_ =	swait.ge [sflag:s12], $0x1400  }
0x13: {  	[sflag:s12] =	ssyncset.done $0x0  }
0x14: {  	[sflag:s12] =	ssyncadd.s32 $0xFFFFEC00  }
0x15: {  	s23 =	simm.s32 $0x0;
	[bflag:$0x0] =	sbarrier.arrive $0xFFFF  }
.LBB2_2:
0x16: {  	s24 =	smul.u32 $0x28, s23;
	_ =	sdelay $0x1  }
0x17: {  	s24 =	sadd.s32 s8, s24  }
0x18: {  	s24 =	sshll.u32 s24, $0x4  }
0x19: {  	s26 =	simm.s32 $0x0;
	s25 =	sadd.s32 s4, s24  }
0x1a: {  	[tilespmem:s26], [sflag:$0x5] =	stream.linear.gather [hbm4b:s25+s26], $0x1400, $0x38;
	[tilespmem:$0x1CA00] =	vst v63  }
0x1b: {  	_ =	swait.ge [sflag:s12], $0x1400  }
0x1c: {  	[sflag:s12] =	ssyncset.done $0x0  }
0x1d: {  	s24 =	sadd.s32 s5, s24;
	[sflag:s12] =	ssyncadd.s32 $0xFFFFEC00  }
0x1e: {  	[tilespmem:s13], [sflag:$0x5] =	stream.linear.gather [hbm4b:s24+s26], $0x1400, $0x38;
	[tilespmem:$0x1CA00] =	vst v63  }
0x1f: {  	_ =	swait.ge [sflag:s12], $0x1400  }
0x20: {  	[sflag:s12] =	ssyncset.done $0x0  }
0x21: {  	s26 =	simm.s32 $0x0;
	[sflag:s12] =	ssyncadd.s32 $0xFFFFEC00  }
0x22: {  	[tilespmem:s15], [sflag:$0x1] =	stream.indirect.gather [hbm4b:s1+s14], $0x80, s26, s14, $0xb8;
	[tilespmem:$0x1CA00] =	vst v63  }
0x23: {  	s29 =	simm.s32 $0x80  }
0x24: {  	[tilespmem:s16], [sflag:$0x2] =	stream.indirect.gather [hbm4b:s1+s14], $0x80, s29, s14, $0xb8;
	[tilespmem:$0x1CA00] =	vst v63  }
0x25: {  	s30 =	simm.s32 $0x100  }
0x26: {  	[tilespmem:s17], [sflag:$0x3] =	stream.indirect.gather [hbm4b:s1+s14], $0x80, s30, s14, $0xb8;
	[tilespmem:$0x1CA00] =	vst v63  }
0x27: {  	s31 =	simm.s32 $0x180  }
0x28: {  	[tilespmem:s18], [sflag:$0x4] =	stream.indirect.gather [hbm4b:s1+s14], $0x80, s31, s14, $0xb8;
	[tilespmem:$0x1CA00] =	vst v63  }
0x29: {  	v1 =	vld [tilespmem:s26+$0x1400];
	_ =	sdelay $0x4  }
0x2a: {  	v1 =	vsub.s32 v1, v0  }
0x2b: {  	v1 =	vmin.u32 v1, $0x1388  }
0x2c: {  	[tilespmem:$0x2800] =	vst v1  }
0x2d: {  	v1 =	vld [tilespmem:s26+$0x1410];
	_ =	sdelay $0x4  }
0x2e: {  	v1 =	vsub.s32 v1, v0  }
0x2f: {  	v1 =	vmin.u32 v1, $0x1388  }
0x30: {  	[tilespmem:$0x2810] =	vst v1  }
0x31: {  	v1 =	vld [tilespmem:s26+$0x1420];
	_ =	sdelay $0x4  }
0x32: {  	v1 =	vsub.s32 v1, v0  }
0x33: {  	v1 =	vmin.u32 v1, $0x1388  }
0x34: {  	[tilespmem:$0x2820] =	vst v1  }
0x35: {  	v1 =	vld [tilespmem:s26+$0x1430];
	_ =	sdelay $0x4  }
0x36: {  	v1 =	vsub.s32 v1, v0  }
0x37: {  	v1 =	vmin.u32 v1, $0x1388  }
0x38: {  	[tilespmem:$0x2830] =	vst v1  }
0x39: {  	v1 =	vld [tilespmem:s26+$0x1440];
	_ =	sdelay $0x4  }
0x3a: {  	v1 =	vsub.s32 v1, v0  }
0x3b: {  	v1 =	vmin.u32 v1, $0x1388  }
0x3c: {  	[tilespmem:$0x2840] =	vst v1  }
0x3d: {  	v1 =	vld [tilespmem:s26+$0x1450];
	_ =	sdelay $0x4  }
0x3e: {  	v1 =	vsub.s32 v1, v0  }
0x3f: {  	v1 =	vmin.u32 v1, $0x1388  }
0x40: {  	[tilespmem:$0x2850] =	vst v1  }
0x41: {  	v1 =	vld [tilespmem:s26+$0x1460];
	_ =	sdelay $0x4  }
0x42: {  	v1 =	vsub.s32 v1, v0  }
0x43: {  	v1 =	vmin.u32 v1, $0x1388  }
0x44: {  	[tilespmem:$0x2860] =	vst v1  }
0x45: {  	v1 =	vld [tilespmem:s26+$0x1470];
	_ =	sdelay $0x4  }
0x46: {  	v1 =	vsub.s32 v1, v0  }
0x47: {  	v1 =	vmin.u32 v1, $0x1388  }
0x48: {  	[tilespmem:$0x2870] =	vst v1  }
0x49: {  	v1 =	vld [tilespmem:s26+$0x1480];
	_ =	sdelay $0x4  }
0x4a: {  	v1 =	vsub.s32 v1, v0  }
0x4b: {  	v1 =	vmin.u32 v1, $0x1388  }
0x4c: {  	[tilespmem:$0x2880] =	vst v1  }
0x4d: {  	v1 =	vld [tilespmem:s26+$0x1490];
	_ =	sdelay $0x4  }
0x4e: {  	v1 =	vsub.s32 v1, v0  }
0x4f: {  	v1 =	vmin.u32 v1, $0x1388  }
0x50: {  	[tilespmem:$0x2890] =	vst v1  }
0x51: {  	v1 =	vld [tilespmem:s26+$0x14A0];
	_ =	sdelay $0x4  }
0x52: {  	v1 =	vsub.s32 v1, v0  }
0x53: {  	v1 =	vmin.u32 v1, $0x1388  }
0x54: {  	[tilespmem:$0x28A0] =	vst v1  }
0x55: {  	v1 =	vld [tilespmem:s26+$0x14B0];
	_ =	sdelay $0x4  }
0x56: {  	v1 =	vsub.s32 v1, v0  }
0x57: {  	v1 =	vmin.u32 v1, $0x1388  }
0x58: {  	[tilespmem:$0x28B0] =	vst v1  }
0x59: {  	v1 =	vld [tilespmem:s26+$0x14C0];
	_ =	sdelay $0x4  }
0x5a: {  	v1 =	vsub.s32 v1, v0  }
0x5b: {  	v1 =	vmin.u32 v1, $0x1388  }
0x5c: {  	[tilespmem:$0x28C0] =	vst v1  }
0x5d: {  	v1 =	vld [tilespmem:s26+$0x14D0];
	_ =	sdelay $0x4  }
0x5e: {  	v1 =	vsub.s32 v1, v0  }
0x5f: {  	v1 =	vmin.u32 v1, $0x1388  }
0x60: {  	[tilespmem:$0x28D0] =	vst v1  }
0x61: {  	v1 =	vld [tilespmem:s26+$0x14E0];
	_ =	sdelay $0x4  }
0x62: {  	v1 =	vsub.s32 v1, v0  }
0x63: {  	v1 =	vmin.u32 v1, $0x1388  }
0x64: {  	[tilespmem:$0x28E0] =	vst v1  }
0x65: {  	v1 =	vld [tilespmem:s26+$0x14F0];
	_ =	sdelay $0x4  }
0x66: {  	v1 =	vsub.s32 v1, v0  }
0x67: {  	v1 =	vmin.u32 v1, $0x1388  }
0x68: {  	[tilespmem:$0x28F0] =	vst v1  }
0x69: {  	v1 =	vld [tilespmem:s26+$0x1500];
	_ =	sdelay $0x4  }
0x6a: {  	v1 =	vsub.s32 v1, v0  }
0x6b: {  	v1 =	vmin.u32 v1, $0x1388  }
0x6c: {  	[tilespmem:$0x2900] =	vst v1  }
0x6d: {  	v1 =	vld [tilespmem:s26+$0x1510];
	_ =	sdelay $0x4  }
0x6e: {  	v1 =	vsub.s32 v1, v0  }
0x6f: {  	v1 =	vmin.u32 v1, $0x1388  }
0x70: {  	[tilespmem:$0x2910] =	vst v1  }
0x71: {  	v1 =	vld [tilespmem:s26+$0x1520];
	_ =	sdelay $0x4  }
0x72: {  	v1 =	vsub.s32 v1, v0  }
0x73: {  	v1 =	vmin.u32 v1, $0x1388  }
0x74: {  	[tilespmem:$0x2920] =	vst v1  }
0x75: {  	v1 =	vld [tilespmem:s26+$0x1530];
	_ =	sdelay $0x4  }
0x76: {  	v1 =	vsub.s32 v1, v0  }
0x77: {  	v1 =	vmin.u32 v1, $0x1388  }
0x78: {  	[tilespmem:$0x2930] =	vst v1  }
0x79: {  	v1 =	vld [tilespmem:s26+$0x1540];
	_ =	sdelay $0x4  }
0x7a: {  	v1 =	vsub.s32 v1, v0  }
0x7b: {  	v1 =	vmin.u32 v1, $0x1388  }
0x7c: {  	[tilespmem:$0x2940] =	vst v1  }
0x7d: {  	v1 =	vld [tilespmem:s26+$0x1550];
	_ =	sdelay $0x4  }
0x7e: {  	v1 =	vsub.s32 v1, v0  }
0x7f: {  	v1 =	vmin.u32 v1, $0x1388  }
0x80: {  	[tilespmem:$0x2950] =	vst v1  }
0x81: {  	v1 =	vld [tilespmem:s26+$0x1560];
	_ =	sdelay $0x4  }
0x82: {  	v1 =	vsub.s32 v1, v0  }
0x83: {  	v1 =	vmin.u32 v1, $0x1388  }
0x84: {  	[tilespmem:$0x2960] =	vst v1  }
0x85: {  	v1 =	vld [tilespmem:s26+$0x1570];
	_ =	sdelay $0x4  }
0x86: {  	v1 =	vsub.s32 v1, v0  }
0x87: {  	v1 =	vmin.u32 v1, $0x1388  }
0x88: {  	[tilespmem:$0x2970] =	vst v1  }
0x89: {  	v1 =	vld [tilespmem:s26+$0x1580];
	_ =	sdelay $0x4  }
0x8a: {  	v1 =	vsub.s32 v1, v0  }
0x8b: {  	v1 =	vmin.u32 v1, $0x1388  }
0x8c: {  	[tilespmem:$0x2980] =	vst v1  }
0x8d: {  	v1 =	vld [tilespmem:s26+$0x1590];
	_ =	sdelay $0x4  }
0x8e: {  	v1 =	vsub.s32 v1, v0  }
0x8f: {  	v1 =	vmin.u32 v1, $0x1388  }
0x90: {  	[tilespmem:$0x2990] =	vst v1  }
0x91: {  	v1 =	vld [tilespmem:s26+$0x15A0];
	_ =	sdelay $0x4  }
0x92: {  	v1 =	vsub.s32 v1, v0  }
0x93: {  	v1 =	vmin.u32 v1, $0x1388  }
0x94: {  	[tilespmem:$0x29A0] =	vst v1  }
0x95: {  	v1 =	vld [tilespmem:s26+$0x15B0];
	_ =	sdelay $0x4  }
0x96: {  	v1 =	vsub.s32 v1, v0  }
0x97: {  	v1 =	vmin.u32 v1, $0x1388  }
0x98: {  	[tilespmem:$0x29B0] =	vst v1  }
0x99: {  	v1 =	vld [tilespmem:s26+$0x15C0];
	_ =	sdelay $0x4  }
0x9a: {  	v1 =	vsub.s32 v1, v0  }
0x9b: {  	v1 =	vmin.u32 v1, $0x1388  }
0x9c: {  	[tilespmem:$0x29C0] =	vst v1  }
0x9d: {  	v1 =	vld [tilespmem:s26+$0x15D0];
	_ =	sdelay $0x4  }
0x9e: {  	v1 =	vsub.s32 v1, v0  }
0x9f: {  	v1 =	vmin.u32 v1, $0x1388  }
0xa0: {  	[tilespmem:$0x29D0] =	vst v1  }
0xa1: {  	v1 =	vld [tilespmem:s26+$0x15E0];
	_ =	sdelay $0x4  }
0xa2: {  	v1 =	vsub.s32 v1, v0  }
0xa3: {  	v1 =	vmin.u32 v1, $0x1388  }
0xa4: {  	[tilespmem:$0x29E0] =	vst v1  }
0xa5: {  	v1 =	vld [tilespmem:s26+$0x15F0];
	_ =	sdelay $0x4  }
0xa6: {  	v1 =	vsub.s32 v1, v0  }
0xa7: {  	v1 =	vmin.u32 v1, $0x1388  }
0xa8: {  	[tilespmem:$0x29F0] =	vst v1  }
0xa9: {  	_ =	swait.ge [sflag:s19], $0x4000  }
0xaa: {  	[sflag:s19] =	ssyncset.done $0x0  }
0xab: {  	[sflag:s19] =	ssyncadd.s32 $0xFFFFC000  }
0xac: {  	_ =	swait.ge [sflag:s20], $0x4000  }
0xad: {  	[sflag:s20] =	ssyncset.done $0x0  }
0xae: {  	[sflag:s20] =	ssyncadd.s32 $0xFFFFC000  }
0xaf: {  	_ =	swait.ge [sflag:s21], $0x4000  }
0xb0: {  	[sflag:s21] =	ssyncset.done $0x0  }
0xb1: {  	[sflag:s21] =	ssyncadd.s32 $0xFFFFC000  }
0xb2: {  	_ =	swait.ge [sflag:s22], $0x4000  }
0xb3: {  	s28 =	simm.s32 $0x1000;
	s24 =	simm.s32 $0x800;
	[sflag:s22] =	ssyncset.done $0x0  }
.LBB2_3:
0xb4: {  	s26 =	sshra.s32 s24, $0x2  }
0xb5: {  	[sflag:s22] =	ssyncadd.s32 $0xFFFFC000;
	s24 =	smov.u32 s28;
	s25 =	sadd.s32 $0x800, s28  }
0xb6: {  	[tilespmem:s15], [sflag:$0x1] =	stream.indirect.gather [hbm4b:s1+s14], $0x80, s26, s14, $0xb8;
	[tilespmem:$0x1CA00] =	vst v63  }
0xb7: {  	p0 =	sne.s32 s28, $0x4800;
	s28 =	sadd.s32 $0x80, s26  }
0xb8: {  	[tilespmem:s16], [sflag:$0x2] =	stream.indirect.gather [hbm4b:s1+s14], $0x80, s28, s14, $0xb8;
	[tilespmem:$0x1CA00] =	vst v63  }
0xb9: {  	s28 =	sadd.s32 $0x100, s26  }
0xba: {  	[tilespmem:s17], [sflag:$0x3] =	stream.indirect.gather [hbm4b:s1+s14], $0x80, s28, s14, $0xb8;
	[tilespmem:$0x1CA00] =	vst v63  }
0xbb: {  	s28 =	sadd.s32 $0x180, s26  }
0xbc: {  	[tilespmem:s18], [sflag:$0x4] =	stream.indirect.gather [hbm4b:s1+s14], $0x80, s28, s14, $0xb8;
	[tilespmem:$0x1CA00] =	vst v63  }
0xbd: {  	v1 =	vld [tilespmem:s26+$0x1400];
	_ =	sdelay $0x4  }
0xbe: {  	v1 =	vsub.s32 v1, v0  }
0xbf: {  	v1 =	vmin.u32 v1, $0x1388  }
0xc0: {  	[tilespmem:$0x2800] =	vst v1  }
0xc1: {  	v1 =	vld [tilespmem:s26+$0x1410];
	_ =	sdelay $0x4  }
0xc2: {  	v1 =	vsub.s32 v1, v0  }
0xc3: {  	v1 =	vmin.u32 v1, $0x1388  }
0xc4: {  	[tilespmem:$0x2810] =	vst v1  }
0xc5: {  	v1 =	vld [tilespmem:s26+$0x1420];
	_ =	sdelay $0x4  }
0xc6: {  	v1 =	vsub.s32 v1, v0  }
0xc7: {  	v1 =	vmin.u32 v1, $0x1388  }
0xc8: {  	[tilespmem:$0x2820] =	vst v1  }
0xc9: {  	v1 =	vld [tilespmem:s26+$0x1430];
	_ =	sdelay $0x4  }
0xca: {  	v1 =	vsub.s32 v1, v0  }
0xcb: {  	v1 =	vmin.u32 v1, $0x1388  }
0xcc: {  	[tilespmem:$0x2830] =	vst v1  }
0xcd: {  	v1 =	vld [tilespmem:s26+$0x1440];
	_ =	sdelay $0x4  }
0xce: {  	v1 =	vsub.s32 v1, v0  }
0xcf: {  	v1 =	vmin.u32 v1, $0x1388  }
0xd0: {  	[tilespmem:$0x2840] =	vst v1  }
0xd1: {  	v1 =	vld [tilespmem:s26+$0x1450];
	_ =	sdelay $0x4  }
0xd2: {  	v1 =	vsub.s32 v1, v0  }
0xd3: {  	v1 =	vmin.u32 v1, $0x1388  }
0xd4: {  	[tilespmem:$0x2850] =	vst v1  }
0xd5: {  	v1 =	vld [tilespmem:s26+$0x1460];
	_ =	sdelay $0x4  }
0xd6: {  	v1 =	vsub.s32 v1, v0  }
0xd7: {  	v1 =	vmin.u32 v1, $0x1388  }
0xd8: {  	[tilespmem:$0x2860] =	vst v1  }
0xd9: {  	v1 =	vld [tilespmem:s26+$0x1470];
	_ =	sdelay $0x4  }
0xda: {  	v1 =	vsub.s32 v1, v0  }
0xdb: {  	v1 =	vmin.u32 v1, $0x1388  }
0xdc: {  	[tilespmem:$0x2870] =	vst v1  }
0xdd: {  	v1 =	vld [tilespmem:s26+$0x1480];
	_ =	sdelay $0x4  }
0xde: {  	v1 =	vsub.s32 v1, v0  }
0xdf: {  	v1 =	vmin.u32 v1, $0x1388  }
0xe0: {  	[tilespmem:$0x2880] =	vst v1  }
0xe1: {  	v1 =	vld [tilespmem:s26+$0x1490];
	_ =	sdelay $0x4  }
0xe2: {  	v1 =	vsub.s32 v1, v0  }
0xe3: {  	v1 =	vmin.u32 v1, $0x1388  }
0xe4: {  	[tilespmem:$0x2890] =	vst v1  }
0xe5: {  	v1 =	vld [tilespmem:s26+$0x14A0];
	_ =	sdelay $0x4  }
0xe6: {  	v1 =	vsub.s32 v1, v0  }
0xe7: {  	v1 =	vmin.u32 v1, $0x1388  }
0xe8: {  	[tilespmem:$0x28A0] =	vst v1  }
0xe9: {  	v1 =	vld [tilespmem:s26+$0x14B0];
	_ =	sdelay $0x4  }
0xea: {  	v1 =	vsub.s32 v1, v0  }
0xeb: {  	v1 =	vmin.u32 v1, $0x1388  }
0xec: {  	[tilespmem:$0x28B0] =	vst v1  }
0xed: {  	v1 =	vld [tilespmem:s26+$0x14C0];
	_ =	sdelay $0x4  }
0xee: {  	v1 =	vsub.s32 v1, v0  }
0xef: {  	v1 =	vmin.u32 v1, $0x1388  }
0xf0: {  	[tilespmem:$0x28C0] =	vst v1  }
0xf1: {  	v1 =	vld [tilespmem:s26+$0x14D0];
	_ =	sdelay $0x4  }
0xf2: {  	v1 =	vsub.s32 v1, v0  }
0xf3: {  	v1 =	vmin.u32 v1, $0x1388  }
0xf4: {  	[tilespmem:$0x28D0] =	vst v1  }
0xf5: {  	v1 =	vld [tilespmem:s26+$0x14E0];
	_ =	sdelay $0x4  }
0xf6: {  	v1 =	vsub.s32 v1, v0  }
0xf7: {  	v1 =	vmin.u32 v1, $0x1388  }
0xf8: {  	[tilespmem:$0x28E0] =	vst v1  }
0xf9: {  	v1 =	vld [tilespmem:s26+$0x14F0];
	_ =	sdelay $0x4  }
0xfa: {  	v1 =	vsub.s32 v1, v0  }
0xfb: {  	v1 =	vmin.u32 v1, $0x1388  }
0xfc: {  	[tilespmem:$0x28F0] =	vst v1  }
0xfd: {  	v1 =	vld [tilespmem:s26+$0x1500];
	_ =	sdelay $0x4  }
0xfe: {  	v1 =	vsub.s32 v1, v0  }
0xff: {  	v1 =	vmin.u32 v1, $0x1388  }
0x100: {  	[tilespmem:$0x2900] =	vst v1  }
0x101: {  	v1 =	vld [tilespmem:s26+$0x1510];
	_ =	sdelay $0x4  }
0x102: {  	v1 =	vsub.s32 v1, v0  }
0x103: {  	v1 =	vmin.u32 v1, $0x1388  }
0x104: {  	[tilespmem:$0x2910] =	vst v1  }
0x105: {  	v1 =	vld [tilespmem:s26+$0x1520];
	_ =	sdelay $0x4  }
0x106: {  	v1 =	vsub.s32 v1, v0  }
0x107: {  	v1 =	vmin.u32 v1, $0x1388  }
0x108: {  	[tilespmem:$0x2920] =	vst v1  }
0x109: {  	v1 =	vld [tilespmem:s26+$0x1530];
	_ =	sdelay $0x4  }
0x10a: {  	v1 =	vsub.s32 v1, v0  }
0x10b: {  	v1 =	vmin.u32 v1, $0x1388  }
0x10c: {  	[tilespmem:$0x2930] =	vst v1  }
0x10d: {  	v1 =	vld [tilespmem:s26+$0x1540];
	_ =	sdelay $0x4  }
0x10e: {  	v1 =	vsub.s32 v1, v0  }
0x10f: {  	v1 =	vmin.u32 v1, $0x1388  }
0x110: {  	[tilespmem:$0x2940] =	vst v1  }
0x111: {  	v1 =	vld [tilespmem:s26+$0x1550];
	_ =	sdelay $0x4  }
0x112: {  	v1 =	vsub.s32 v1, v0  }
0x113: {  	v1 =	vmin.u32 v1, $0x1388  }
0x114: {  	[tilespmem:$0x2950] =	vst v1  }
0x115: {  	v1 =	vld [tilespmem:s26+$0x1560];
	_ =	sdelay $0x4  }
0x116: {  	v1 =	vsub.s32 v1, v0  }
0x117: {  	v1 =	vmin.u32 v1, $0x1388  }
0x118: {  	[tilespmem:$0x2960] =	vst v1  }
0x119: {  	v1 =	vld [tilespmem:s26+$0x1570];
	_ =	sdelay $0x4  }
0x11a: {  	v1 =	vsub.s32 v1, v0  }
0x11b: {  	v1 =	vmin.u32 v1, $0x1388  }
0x11c: {  	[tilespmem:$0x2970] =	vst v1  }
0x11d: {  	v1 =	vld [tilespmem:s26+$0x1580];
	_ =	sdelay $0x4  }
0x11e: {  	v1 =	vsub.s32 v1, v0  }
0x11f: {  	v1 =	vmin.u32 v1, $0x1388  }
0x120: {  	[tilespmem:$0x2980] =	vst v1  }
0x121: {  	v1 =	vld [tilespmem:s26+$0x1590];
	_ =	sdelay $0x4  }
0x122: {  	v1 =	vsub.s32 v1, v0  }
0x123: {  	v1 =	vmin.u32 v1, $0x1388  }
0x124: {  	[tilespmem:$0x2990] =	vst v1  }
0x125: {  	v1 =	vld [tilespmem:s26+$0x15A0];
	_ =	sdelay $0x4  }
0x126: {  	v1 =	vsub.s32 v1, v0  }
0x127: {  	v1 =	vmin.u32 v1, $0x1388  }
0x128: {  	[tilespmem:$0x29A0] =	vst v1  }
0x129: {  	v1 =	vld [tilespmem:s26+$0x15B0];
	_ =	sdelay $0x4  }
0x12a: {  	v1 =	vsub.s32 v1, v0  }
0x12b: {  	v1 =	vmin.u32 v1, $0x1388  }
0x12c: {  	[tilespmem:$0x29B0] =	vst v1  }
0x12d: {  	v1 =	vld [tilespmem:s26+$0x15C0];
	_ =	sdelay $0x4  }
0x12e: {  	v1 =	vsub.s32 v1, v0  }
0x12f: {  	v1 =	vmin.u32 v1, $0x1388  }
0x130: {  	[tilespmem:$0x29C0] =	vst v1  }
0x131: {  	v1 =	vld [tilespmem:s26+$0x15D0];
	_ =	sdelay $0x4  }
0x132: {  	v1 =	vsub.s32 v1, v0  }
0x133: {  	v1 =	vmin.u32 v1, $0x1388  }
0x134: {  	[tilespmem:$0x29D0] =	vst v1  }
0x135: {  	v1 =	vld [tilespmem:s26+$0x15E0];
	_ =	sdelay $0x4  }
0x136: {  	v1 =	vsub.s32 v1, v0  }
0x137: {  	v1 =	vmin.u32 v1, $0x1388  }
0x138: {  	[tilespmem:$0x29E0] =	vst v1  }
0x139: {  	v1 =	vld [tilespmem:s26+$0x15F0];
	_ =	sdelay $0x4  }
0x13a: {  	v1 =	vsub.s32 v1, v0  }
0x13b: {  	v1 =	vmin.u32 v1, $0x1388  }
0x13c: {  	[tilespmem:$0x29F0] =	vst v1  }
0x13d: {  	_ =	swait.ge [sflag:s19], $0x4000  }
0x13e: {  	[sflag:s19] =	ssyncset.done $0x0  }
0x13f: {  	[sflag:s19] =	ssyncadd.s32 $0xFFFFC000  }
0x140: {  	_ =	swait.ge [sflag:s20], $0x4000  }
0x141: {  	[sflag:s20] =	ssyncset.done $0x0  }
0x142: {  	[sflag:s20] =	ssyncadd.s32 $0xFFFFC000  }
.Ltmp0:
0x143: {  	_ =	swait.ge [sflag:s21], $0x4000;
	(pc) =	sbr.rel @p0 .LBB2_3-.Ltmp0, $4  }
0x144: {  	[sflag:s21] =	ssyncset.done $0x0  }
0x145: {  	[sflag:s21] =	ssyncadd.s32 $0xFFFFC000  }
0x146: {  	_ =	swait.ge [sflag:s22], $0x4000  }
0x147: {  	s28 =	smov.u32 s25;
	[sflag:s22] =	ssyncset.done $0x0  }
0x148: {  	s24 =	sshra.s32 s24, $0x2;
	[sflag:s22] =	ssyncadd.s32 $0xFFFFC000  }
0x149: {  	[tilespmem:s15], [sflag:$0x1] =	stream.indirect.gather [hbm4b:s1+s14], $0x80, s24, s14, $0xb8;
	[tilespmem:$0x1CA00] =	vst v63  }
0x14a: {  	s25 =	sadd.s32 $0x80, s24  }
0x14b: {  	[tilespmem:s16], [sflag:$0x2] =	stream.indirect.gather [hbm4b:s1+s14], $0x80, s25, s14, $0xb8;
	[tilespmem:$0x1CA00] =	vst v63  }
0x14c: {  	s30 =	sadd.s32 $0x100, s24  }
0x14d: {  	[tilespmem:s17], [sflag:$0x3] =	stream.indirect.gather [hbm4b:s1+s14], $0x80, s30, s14, $0xb8;
	[tilespmem:$0x1CA00] =	vst v63  }
0x14e: {  	s31 =	sadd.s32 $0x180, s24  }
0x14f: {  	[tilespmem:s18], [sflag:$0x4] =	stream.indirect.gather [hbm4b:s1+s14], $0x80, s31, s14, $0xb8;
	[tilespmem:$0x1CA00] =	vst v63  }
0x150: {  	v1 =	vld [tilespmem:s24+$0x1400];
	_ =	sdelay $0x4  }
0x151: {  	v1 =	vsub.s32 v1, v0  }
0x152: {  	v1 =	vmin.u32 v1, $0x1388  }
0x153: {  	[tilespmem:$0x2800] =	vst v1  }
0x154: {  	v1 =	vld [tilespmem:s24+$0x1410];
	_ =	sdelay $0x4  }
0x155: {  	v1 =	vsub.s32 v1, v0  }
0x156: {  	v1 =	vmin.u32 v1, $0x1388  }
0x157: {  	[tilespmem:$0x2810] =	vst v1  }
0x158: {  	v1 =	vld [tilespmem:s24+$0x1420];
	_ =	sdelay $0x4  }
0x159: {  	v1 =	vsub.s32 v1, v0  }
0x15a: {  	v1 =	vmin.u32 v1, $0x1388  }
0x15b: {  	[tilespmem:$0x2820] =	vst v1  }
0x15c: {  	v1 =	vld [tilespmem:s24+$0x1430];
	_ =	sdelay $0x4  }
0x15d: {  	v1 =	vsub.s32 v1, v0  }
0x15e: {  	v1 =	vmin.u32 v1, $0x1388  }
0x15f: {  	[tilespmem:$0x2830] =	vst v1  }
0x160: {  	v1 =	vld [tilespmem:s24+$0x1440];
	_ =	sdelay $0x4  }
0x161: {  	v1 =	vsub.s32 v1, v0  }
0x162: {  	v1 =	vmin.u32 v1, $0x1388  }
0x163: {  	[tilespmem:$0x2840] =	vst v1  }
0x164: {  	v1 =	vld [tilespmem:s24+$0x1450];
	_ =	sdelay $0x4  }
0x165: {  	v1 =	vsub.s32 v1, v0  }
0x166: {  	v1 =	vmin.u32 v1, $0x1388  }
0x167: {  	[tilespmem:$0x2850] =	vst v1  }
0x168: {  	v1 =	vld [tilespmem:s24+$0x1460];
	_ =	sdelay $0x4  }
0x169: {  	v1 =	vsub.s32 v1, v0  }
0x16a: {  	v1 =	vmin.u32 v1, $0x1388  }
0x16b: {  	[tilespmem:$0x2860] =	vst v1  }
0x16c: {  	v1 =	vld [tilespmem:s24+$0x1470];
	_ =	sdelay $0x4  }
0x16d: {  	v1 =	vsub.s32 v1, v0  }
0x16e: {  	v1 =	vmin.u32 v1, $0x1388  }
0x16f: {  	[tilespmem:$0x2870] =	vst v1  }
0x170: {  	v1 =	vld [tilespmem:s24+$0x1480];
	_ =	sdelay $0x4  }
0x171: {  	v1 =	vsub.s32 v1, v0  }
0x172: {  	v1 =	vmin.u32 v1, $0x1388  }
0x173: {  	[tilespmem:$0x2880] =	vst v1  }
0x174: {  	v1 =	vld [tilespmem:s24+$0x1490];
	_ =	sdelay $0x4  }
0x175: {  	v1 =	vsub.s32 v1, v0  }
0x176: {  	v1 =	vmin.u32 v1, $0x1388  }
0x177: {  	[tilespmem:$0x2890] =	vst v1  }
0x178: {  	v1 =	vld [tilespmem:s24+$0x14A0];
	_ =	sdelay $0x4  }
0x179: {  	v1 =	vsub.s32 v1, v0  }
0x17a: {  	v1 =	vmin.u32 v1, $0x1388  }
0x17b: {  	[tilespmem:$0x28A0] =	vst v1  }
0x17c: {  	v1 =	vld [tilespmem:s24+$0x14B0];
	_ =	sdelay $0x4  }
0x17d: {  	v1 =	vsub.s32 v1, v0  }
0x17e: {  	v1 =	vmin.u32 v1, $0x1388  }
0x17f: {  	[tilespmem:$0x28B0] =	vst v1  }
0x180: {  	v1 =	vld [tilespmem:s24+$0x14C0];
	_ =	sdelay $0x4  }
0x181: {  	v1 =	vsub.s32 v1, v0  }
0x182: {  	v1 =	vmin.u32 v1, $0x1388  }
0x183: {  	[tilespmem:$0x28C0] =	vst v1  }
0x184: {  	v1 =	vld [tilespmem:s24+$0x14D0];
	_ =	sdelay $0x4  }
0x185: {  	v1 =	vsub.s32 v1, v0  }
0x186: {  	v1 =	vmin.u32 v1, $0x1388  }
0x187: {  	[tilespmem:$0x28D0] =	vst v1  }
0x188: {  	v1 =	vld [tilespmem:s24+$0x14E0];
	_ =	sdelay $0x4  }
0x189: {  	v1 =	vsub.s32 v1, v0  }
0x18a: {  	v1 =	vmin.u32 v1, $0x1388  }
0x18b: {  	[tilespmem:$0x28E0] =	vst v1  }
0x18c: {  	v1 =	vld [tilespmem:s24+$0x14F0];
	_ =	sdelay $0x4  }
0x18d: {  	v1 =	vsub.s32 v1, v0  }
0x18e: {  	v1 =	vmin.u32 v1, $0x1388  }
0x18f: {  	[tilespmem:$0x28F0] =	vst v1  }
0x190: {  	v1 =	vld [tilespmem:s24+$0x1500];
	_ =	sdelay $0x4  }
0x191: {  	v1 =	vsub.s32 v1, v0  }
0x192: {  	v1 =	vmin.u32 v1, $0x1388  }
0x193: {  	[tilespmem:$0x2900] =	vst v1  }
0x194: {  	v1 =	vld [tilespmem:s24+$0x1510];
	_ =	sdelay $0x4  }
0x195: {  	v1 =	vsub.s32 v1, v0  }
0x196: {  	v1 =	vmin.u32 v1, $0x1388  }
0x197: {  	[tilespmem:$0x2910] =	vst v1  }
0x198: {  	v1 =	vld [tilespmem:s24+$0x1520];
	_ =	sdelay $0x4  }
0x199: {  	v1 =	vsub.s32 v1, v0  }
0x19a: {  	v1 =	vmin.u32 v1, $0x1388  }
0x19b: {  	[tilespmem:$0x2920] =	vst v1  }
0x19c: {  	v1 =	vld [tilespmem:s24+$0x1530];
	_ =	sdelay $0x4  }
0x19d: {  	v1 =	vsub.s32 v1, v0  }
0x19e: {  	v1 =	vmin.u32 v1, $0x1388  }
0x19f: {  	[tilespmem:$0x2930] =	vst v1  }
0x1a0: {  	v1 =	vld [tilespmem:s24+$0x1540];
	_ =	sdelay $0x4  }
0x1a1: {  	v1 =	vsub.s32 v1, v0  }
0x1a2: {  	v1 =	vmin.u32 v1, $0x1388  }
0x1a3: {  	[tilespmem:$0x2940] =	vst v1  }
0x1a4: {  	v1 =	vld [tilespmem:s24+$0x1550];
	_ =	sdelay $0x4  }
0x1a5: {  	v1 =	vsub.s32 v1, v0  }
0x1a6: {  	v1 =	vmin.u32 v1, $0x1388  }
0x1a7: {  	[tilespmem:$0x2950] =	vst v1  }
0x1a8: {  	v1 =	vld [tilespmem:s24+$0x1560];
	_ =	sdelay $0x4  }
0x1a9: {  	v1 =	vsub.s32 v1, v0  }
0x1aa: {  	v1 =	vmin.u32 v1, $0x1388  }
0x1ab: {  	[tilespmem:$0x2960] =	vst v1  }
0x1ac: {  	v1 =	vld [tilespmem:s24+$0x1570];
	_ =	sdelay $0x4  }
0x1ad: {  	v1 =	vsub.s32 v1, v0  }
0x1ae: {  	v1 =	vmin.u32 v1, $0x1388  }
0x1af: {  	[tilespmem:$0x2970] =	vst v1  }
0x1b0: {  	v1 =	vld [tilespmem:s24+$0x1580];
	_ =	sdelay $0x4  }
0x1b1: {  	v1 =	vsub.s32 v1, v0  }
0x1b2: {  	v1 =	vmin.u32 v1, $0x1388  }
0x1b3: {  	[tilespmem:$0x2980] =	vst v1  }
0x1b4: {  	v1 =	vld [tilespmem:s24+$0x1590];
	_ =	sdelay $0x4  }
0x1b5: {  	v1 =	vsub.s32 v1, v0  }
0x1b6: {  	v1 =	vmin.u32 v1, $0x1388  }
0x1b7: {  	[tilespmem:$0x2990] =	vst v1  }
0x1b8: {  	v1 =	vld [tilespmem:s24+$0x15A0];
	_ =	sdelay $0x4  }
0x1b9: {  	v1 =	vsub.s32 v1, v0  }
0x1ba: {  	v1 =	vmin.u32 v1, $0x1388  }
0x1bb: {  	[tilespmem:$0x29A0] =	vst v1  }
0x1bc: {  	v1 =	vld [tilespmem:s24+$0x15B0];
	_ =	sdelay $0x4  }
0x1bd: {  	v1 =	vsub.s32 v1, v0  }
0x1be: {  	v1 =	vmin.u32 v1, $0x1388  }
0x1bf: {  	[tilespmem:$0x29B0] =	vst v1  }
0x1c0: {  	v1 =	vld [tilespmem:s24+$0x15C0];
	_ =	sdelay $0x4  }
0x1c1: {  	v1 =	vsub.s32 v1, v0  }
0x1c2: {  	v1 =	vmin.u32 v1, $0x1388  }
0x1c3: {  	[tilespmem:$0x29C0] =	vst v1  }
0x1c4: {  	v1 =	vld [tilespmem:s24+$0x15D0];
	_ =	sdelay $0x4  }
0x1c5: {  	v1 =	vsub.s32 v1, v0  }
0x1c6: {  	v1 =	vmin.u32 v1, $0x1388  }
0x1c7: {  	[tilespmem:$0x29D0] =	vst v1  }
0x1c8: {  	v1 =	vld [tilespmem:s24+$0x15E0];
	_ =	sdelay $0x4  }
0x1c9: {  	v1 =	vsub.s32 v1, v0  }
0x1ca: {  	v1 =	vmin.u32 v1, $0x1388  }
0x1cb: {  	[tilespmem:$0x29E0] =	vst v1  }
0x1cc: {  	v1 =	vld [tilespmem:s24+$0x15F0];
	_ =	sdelay $0x4  }
0x1cd: {  	v1 =	vsub.s32 v1, v0  }
0x1ce: {  	v1 =	vmin.u32 v1, $0x1388  }
0x1cf: {  	[tilespmem:$0x29F0] =	vst v1  }
0x1d0: {  	_ =	swait.ge [sflag:s19], $0x4000  }
0x1d1: {  	[sflag:s19] =	ssyncset.done $0x0  }
0x1d2: {  	[sflag:s19] =	ssyncadd.s32 $0xFFFFC000  }
0x1d3: {  	_ =	swait.ge [sflag:s20], $0x4000  }
0x1d4: {  	[sflag:s20] =	ssyncset.done $0x0  }
0x1d5: {  	s23 =	sadd.s32 $0x1, s23;
	[sflag:s20] =	ssyncadd.s32 $0xFFFFC000  }
0x1d6: {  	p0 =	sne.s32 s23, $0x4;
	_ =	swait.ge [sflag:s21], $0x4000  }
.Ltmp1:
0x1d7: {  	[sflag:s21] =	ssyncset.done $0x0;
	(pc) =	sbr.rel @p0 .LBB2_2-.Ltmp1, $4  }
0x1d8: {  	[sflag:s21] =	ssyncadd.s32 $0xFFFFC000  }
0x1d9: {  	_ =	swait.ge [sflag:s22], $0x4000  }
0x1da: {  	[sflag:s22] =	ssyncset.done $0x0  }
0x1db: {  	[sflag:s22] =	ssyncadd.s32 $0xFFFFC000  }
0x1dc: {  	s3 =	sadd.s32 $0x1, s3  }
0x1dd: {  	p0 =	sne.s32 s3, s10  }
.Ltmp2:
0x1de: {  	[bflag:$0x0] =	sbarrier.arrive $0xFFFF;
	(pc) =	sbr.rel @p0 .LBB2_1-.Ltmp2, $4  }
0x1df: {  	[hbm:s9], [sflag:s7] =	dma.local [spmem:s11], $0x1400  }
0x1e0: {  	_ =	swait.ge [sflag:s12], $0x1400  }
0x1e1: {  	[sflag:s12] =	ssyncset.done $0x0  }
0x1e2: {  	[sflag:s12] =	ssyncadd.s32 $0xFFFFEC00  }
0x1e3: {  	_ =	sfence.sel $0x180000  }
0x1e4: {  	[bflag:$0x0] =	sbarrier.arrive $0xFFFF  }
0x1e5: {  	p0 =	sne.s32 s2, $0x0;
	_ =	strace $0x9000004A  }
0x1e6: {  	s0 =	sadd.s32 @!p0 $0x100000, s0;
	[bflag:$0x2] =	sbarrier.arrive $0xFFFF  }
0x1e7: {  	[sflag:s0] =	ssyncadd.tile.s32 @!p0 $0x1;
	_ =	shalt  }
.Lfunc_end2:
_tile_overlayer_lowered:
.L_overlay_start_2:
0x1e8: {  	(tag) =	ssettag $0x2  }
0x1e9: {  	s0 =	rddreg [dreg:$0x0];
	s2 =	stileid.u32  }
0x1ea: {  	s1 =	rddreg [dreg:$0x1];
	p0 =	sne.s32 s2, $0x0  }
0x1eb: {  	s3 =	rddreg [dreg:$0x2];
	[bflag:$0x3] =	sbarrier.arrive $0xFFFF;
	s2 =	simm.s32 @!p0 $0x1C05  }
0x1ec: {  	[timem:s3], [sflag:s2] =	dma.local @!p0 [hbm:s0], s1  }
0x1ed: {  	s0 =	simm.s32 @!p0 $0x5  }
0x1ee: {  	_ =	swait.ge @!p0 [sflag:s0], s1  }
0x1ef: {  	s1 =	ssub.s32 @!p0 $0x0, s1;
	[sflag:s0] =	ssyncset.done @!p0 $0x0  }
0x1f0: {  	[sflag:s0] =	ssyncadd.s32 @!p0 s1  }
0x1f1: {  	[bflag:$0x3] =	sbarrier.arrive $0xFFFF  }
0x1f2: {  	_ =	shalt  }

// kernel: kernel.7.cloned.1.call-start
scs
__scs_entry_jumppad:
0x0: {  	(pc) =	sbr.rel $0x88, $3  }
0x1: {  	(tag) =	ssettag $0x0;
	lr =	simm.s32 $0x1  }
0x2: {  	[smem:$0x3F9C] =	sst lr;
	_ =	strace $0xD0000000  }
0x3: {  	_ = 	snop  }
0x4: {  	_ = 	snop  }
0x5: {  	_ = 	snop  }
0x6: {  	_ = 	snop  }
0x7: {  	_ = 	snop  }
__scs_overlays_trampoline_lowered:
0x8: {  	[smem:$0x3FAB] =	sst s0  }
0x9: {  	[smem:$0x3FAC] =	sst s1  }
0xa: {  	[smem:$0x3FAD] =	sst s2  }
0xb: {  	[smem:$0x3FAE] =	sst s3  }
0xc: {  	[smem:$0x3FAF] =	sst s4  }
0xd: {  	[smem:$0x3FB0] =	sst s5  }
0xe: {  	[smem:$0x3FB1] =	sst s6  }
0xf: {  	[smem:$0x3FB2] =	sst s7  }
0x10: {  	[smem:$0x3FB3] =	sst s8  }
0x11: {  	[smem:$0x3FB4] =	sst s9;
	s0 =	simm.s32 @!p0 $0x0  }
0x12: {  	s1 =	sld [smem:$0x3F9A];
	s0 =	simm.s32 @p0 $0x1  }
0x13: {  	[smem:$0x3FB5] =	sst s0;
	s0 =	simm.s32 @!p1 $0x0  }
0x14: {  	s2 =	sld [smem:$0x3F99];
	s0 =	simm.s32 @p1 $0x1  }
0x15: {  	[smem:$0x3FB6] =	sst s0;
	s0 =	simm.s32 @!p2 $0x0  }
0x16: {  	s3 =	sld [smem:$0x3FDB];
	s0 =	simm.s32 @p2 $0x1  }
0x17: {  	s4 =	simm.s32 $0x1BF5;
	[smem:$0x3FB8] =	sst s0  }
0x18: {  	s0 =	sld [smem:$0x3F9B];
	_ =	swait.ge [sflag:s4], $0x0  }
0x19: {  	s7 =	sld [smem:$0x3F9C]  }
0x1a: {  	s8 =	sadd.s32 $0xFFFFE003, lr  }
0x1b: {  	s9 =	sadd.s32 $0xFFFFFEF7, lr;
	s5 =	simm.s32 $0xFFFFFFFF;
	p2 =	slt.u32 s8, $0xFFFFF086  }
0x1c: {  	p1 =	slt.u32 s9, $0xF7A;
	s5 =	simm.s32 @!p2 $0x0  }
0x1d: {  	s5 =	simm.s32 @p1 $0x1;
	p0 =	seq.s32 s7, s2  }
0x1e: {  	s7 =	smul.u32 @!p0 $0xF7A, s2;
	p2 =	seq.s32 @!p0 s5, $0x0  }
0x1f: {  	s9 =	smul.u32 $0xF7A, s1;
	s8 =	simm.s32 @!p0 $0x1BF5;
	p2 =	por !p2, p0  }
0x20: {  	[sflag:s8] =	ssyncset.s32 @!p0 $0xFFFFF086;
	s6 =	sadd.s32 @!p0 s3, s7;
	s7 =	simm.s32 @!p0 $0x108  }
0x21: {  	s3 =	sadd.s32 s3, s9;
	s6 =	sadd.s32 @!p0 $0x88, s6;
	s7 =	simm.s32 @p2 $0x1082  }
0x22: {  	[simem:s7], [sflag:s8] =	dma.local @!p0 [hbm:s6], $0xF7A  }
0x23: {  	s9 =	sor.u32 $0xD0000000, s2;
	s6 =	simm.s32 $0x108;
	_ =	swait.ge @!p0 [sflag:s8], $0x0  }
0x24: {  	s3 =	sadd.s32 $0x88, s3;
	s6 =	simm.s32 @!p1 $0x1082;
	[sflag:s4] =	ssyncset.s32 $0xFFFFF086  }
0x25: {  	[simem:s6], [sflag:s4] =	dma.local [hbm:s3], $0xF7A  }
0x26: {  	[smem:$0x3F9C] =	sst s1;
	(tag) =	ssettag s2;
	_ =	strace s9  }
0x27: {  	s1 =	sld [smem:$0x3FAC]  }
0x28: {  	s2 =	sld [smem:$0x3FAD]  }
0x29: {  	s4 =	sld [smem:$0x3FAF]  }
0x2a: {  	p0 =	seq.s32 s5, $0x0;
	s5 =	sld [smem:$0x3FB0]  }
0x2b: {  	s6 =	sld [smem:$0x3FB1]  }
0x2c: {  	s7 =	sld [smem:$0x3FB2]  }
0x2d: {  	s3 =	simm.s32 $0x108;
	s8 =	sld [smem:$0x3FB3]  }
0x2e: {  	s3 =	simm.s32 @!p0 $0x1082;
	s9 =	sld [smem:$0x3FB4]  }
0x2f: {  	lr =	sadd.s32 s0, s3;
	s0 =	sld [smem:$0x3FAB]  }
0x30: {  	s3 =	sld [smem:$0x3FAE]  }
0x31: {  	[smem:$0x3FB7] =	sst s10  }
0x32: {  	s10 =	sld [smem:$0x3FB5];
	_ =	sdelay $0x3  }
0x33: {  	p0 =	seq.s32 s10, $0x1;
	s10 =	sld [smem:$0x3FB7];
	_ =	sdelay $0x3  }
0x34: {  	[smem:$0x3FB7] =	sst s10  }
0x35: {  	s10 =	sld [smem:$0x3FB6];
	_ =	sdelay $0x3  }
0x36: {  	p1 =	seq.s32 s10, $0x1;
	s10 =	sld [smem:$0x3FB7];
	_ =	sdelay $0x3  }
0x37: {  	[smem:$0x3FB7] =	sst s10  }
0x38: {  	s10 =	sld [smem:$0x3FB8]  }
0x39: {  	_ = 	snop;
	(pc) =	sbr.ind lr, $3  }
0x3a: {  	_ = 	snop  }
0x3b: {  	_ = 	snop  }
0x3c: {  	p2 =	seq.s32 s10, $0x1;
	s10 =	sld [smem:$0x3FB7]  }
0x3d: {  	_ =	shalt  }
0x3e: {  	_ =	shalt  }
0x3f: {  	_ =	shalt  }
0x40: {  	_ =	shalt  }
0x41: {  	_ =	shalt  }
0x42: {  	_ =	shalt  }
0x43: {  	_ =	shalt  }
0x44: {  	_ =	shalt  }
0x45: {  	_ =	shalt  }
0x46: {  	_ =	shalt  }
0x47: {  	_ =	shalt  }
0x48: {  	_ =	shalt  }
0x49: {  	_ =	shalt  }
0x4a: {  	_ =	shalt  }
0x4b: {  	_ =	shalt  }
0x4c: {  	_ =	shalt  }
0x4d: {  	_ =	shalt  }
0x4e: {  	_ =	shalt  }
0x4f: {  	_ =	shalt  }
0x50: {  	_ =	shalt  }
0x51: {  	_ =	shalt  }
0x52: {  	_ =	shalt  }
0x53: {  	_ =	shalt  }
0x54: {  	_ =	shalt  }
0x55: {  	_ =	shalt  }
0x56: {  	_ =	shalt  }
0x57: {  	_ =	shalt  }
0x58: {  	_ =	shalt  }
0x59: {  	_ =	shalt  }
0x5a: {  	_ =	shalt  }
0x5b: {  	_ =	shalt  }
0x5c: {  	_ =	shalt  }
0x5d: {  	_ =	shalt  }
0x5e: {  	_ =	shalt  }
0x5f: {  	_ =	shalt  }
0x60: {  	_ =	shalt  }
0x61: {  	_ =	shalt  }
0x62: {  	_ =	shalt  }
0x63: {  	_ =	shalt  }
0x64: {  	_ =	shalt  }
0x65: {  	_ =	shalt  }
0x66: {  	_ =	shalt  }
0x67: {  	_ =	shalt  }
0x68: {  	_ =	shalt  }
0x69: {  	_ =	shalt  }
0x6a: {  	_ =	shalt  }
0x6b: {  	_ =	shalt  }
0x6c: {  	_ =	shalt  }
0x6d: {  	_ =	shalt  }
0x6e: {  	_ =	shalt  }
0x6f: {  	_ =	shalt  }
0x70: {  	_ =	shalt  }
0x71: {  	_ =	shalt  }
0x72: {  	_ =	shalt  }
0x73: {  	_ =	shalt  }
0x74: {  	_ =	shalt  }
0x75: {  	_ =	shalt  }
0x76: {  	_ =	shalt  }
0x77: {  	_ =	shalt  }
0x78: {  	_ =	shalt  }
0x79: {  	_ =	shalt  }
0x7a: {  	_ =	shalt  }
0x7b: {  	_ =	shalt  }
0x7c: {  	_ =	shalt  }
0x7d: {  	_ =	shalt  }
0x7e: {  	_ =	shalt  }
0x7f: {  	_ =	shalt  }
0x80: {  	_ =	shalt  }
0x81: {  	_ =	shalt  }
0x82: {  	_ =	shalt  }
0x83: {  	_ =	shalt  }
0x84: {  	_ =	shalt  }
0x85: {  	_ =	shalt  }
0x86: {  	_ =	shalt  }
0x87: {  	_ =	shalt  }
.Lfunc_end0:
.L_simem_size_0:
called_computation_lowered:
.L_overlay_start_0:
0x88: {  	s2 =	sld [smem:$0x3FD9]  }
0x89: {  	s3 =	sld [smem:$0x3FFE];
	_ =	sdelay $0x1  }
0x8a: {  	s1 =	srdreg.scid  }
0x8b: {  	s0 =	sand.u32 $0x1, s1  }
0x8c: {  	s17 =	sshll.u32 s0, $0xA;
	s2 =	sadd.s32 s3, s2  }
0x8d: {  	s2 =	sadd.s32 s2, s17  }
0x8e: {  	[smem:$0x3FC3] =	sst s2  }
0x8f: {  	_ = 	snop  }
0x90: {  	s2 =	sld [smem:$0x3FD0];
	(tm) =	ssettm $0x1  }
0x91: {  	s18 =	sld [smem:$0x3FFB];
	_ =	sdelay $0x3  }
0x92: {  	_ =	strace s18  }
0x93: {  	s3 =	sld [smem:$0x3FFC];
	_ =	sdelay $0x3  }
0x94: {  	_ =	strace s3  }
0x95: {  	s3 =	sld [smem:$0x3FFD];
	_ =	sdelay $0x3  }
0x96: {  	_ =	strace s3  }
0x97: {  	_ =	strace $0x8FFFFFFF  }
0x98: {  	s19 =	sld [smem:$0x3FDB];
	_ =	sdelay $0x1  }
0x99: {  	s4 =	simm.s32 $_scs_section_size  }
0x9a: {  	s5 =	simm.s32 $_size__tile_overlayer_lowered;
	s6 =	simm.s32 $_tile_overlayer_lowered  }
0x9b: {  	s22 =	simm.s32 $0x1BFF;
	s21 =	sshll.u32 s6, $0x1;
	s3 =	sadd.s32 s4, s19  }
0x9c: {  	s7 =	simm.s32 $0x0;
	s20 =	sshll.u32 s5, $0x1;
	s5 =	sadd.s32 s21, s3  }
0x9d: {  	[timem:s7], [sflag:s22] =	dma.local [hbm:s5], s20  }
0x9e: {  	_ =	swait.ge [sflag:s22], s20  }
0x9f: {  	s4 =	ssub.s32 $0x0, s20;
	[sflag:s22] =	ssyncset.done $0x0  }
0xa0: {  	[sflag:s22] =	ssyncadd.s32 s4;
	_ =	sdelay $0x1  }
0xa1: {  	s23 =	simm.s32 $0x1B8B  }
0xa2: {  	_ =	swait.ge [sflag:s23], $0x1  }
0xa3: {  	[sflag:s23] =	ssyncset.done $0x0  }
0xa4: {  	s25 =	simm.s32 $0x1B8E;
	s24 =	sld [smem:$0x3FFE];
	[sflag:s23] =	ssyncadd.s32 $0xFFFFFFFF  }
0xa5: {  	s26 =	simm.s32 $execute0_lowered;
	[smem:$0x3FD2] =	sst s25  }
0xa6: {  	s5 =	sshll.u32 s26, $0x1;
	_ =	strace $0x80000046;
	[dreg:$0x1] =	wrdreg $0xFFFFFFFF  }
0xa7: {  	s28 =	simm.s32 $_size_execute0_lowered;
	s3 =	sadd.s32 s3, s5;
	[dreg:$0x0] =	wrdreg $0x0  }
0xa8: {  	s5 =	sshll.u32 s28, $0x1;
	[dreg:$0x2] =	wrdreg s3  }
0xa9: {  	[dreg:$0x3] =	wrdreg s5  }
0xaa: {  	[dreg:$0x4] =	wrdreg $0xC0  }
0xab: {  	_ =	task [dreg:s7], $0x5FFFF  }
0xac: {  	[dreg:$0x1] =	wrdreg $0xFFFFFFFF  }
0xad: {  	[dreg:$0x0] =	wrdreg $0x60  }
0xae: {  	[dreg:$0x2] =	wrdreg s2  }
0xaf: {  	[dreg:$0x3] =	wrdreg s24  }
0xb0: {  	[dreg:$0x4] =	wrdreg $0x128000  }
0xb1: {  	[dreg:$0x5] =	wrdreg $0x9  }
0xb2: {  	_ =	task.clear_ibuf [dreg:s7], $0x6FFFF;
	_ =	strace $0x90000046  }
0xb3: {  	s29 =	simm.s32 $0x9;
	_ =	strace $0x80000048  }
0xb4: {  	_ =	swait.ge [sflag:s29], $0x1  }
0xb5: {  	[sflag:s29] =	ssyncadd.s32 $0xFFFFFFFF  }
0xb6: {  	_ =	strace $0x90000048  }
0xb7: {  	_ =	sfence  }
0xb8: {  	s30 =	sld [smem:$0x0];
	_ =	sdelay $0x2  }
0xb9: {  	s31 =	sshll.u32 s1, $0xD;
	s1 =	sshrl.u32 s1, $0x2  }
0xba: {  	s3 =	sand.u32 $0x4000, s31;
	s1 =	sadd.s32 s1, s30  }
0xbb: {  	s0 =	sor.u32 s3, s0;
	s1 =	sshll.u32 s1, $0x11  }
0xbc: {  	s0 =	sor.u32 s1, s0  }
0xbd: {  	s0 =	sadd.s32 $0x8F2B, s0  }
0xbe: {  	[sflag:s0] =	ssyncadd.remote.s32 $0x1  }
0xbf: {  	_ =	sfence.sel $0xFFFF  }
0xc0: {  	[dreg:$0x0] =	wrdreg $0xFFFFFFFF;
	(pc) =	sbr.abs _section_cstart, $3  }
0xc1: {  	[dreg:$0x1] =	wrdreg $0xFFFFFFFF  }
0xc2: {  	_ =	task.clear_ibuf [dreg:s7], $0x2FFFF;
	_ =	strace $0x9FFFFFFF  }
0xc3: {  	(tm) =	ssettm $0x7FFFFFFF  }
tec
execute0_lowered:
.L_overlay_start_1:
0x0: {  	(tag) =	ssettag $0x1  }
0x1: {  	s1 =	rddreg [dreg:$0x0]  }
0x2: {  	s0 =	rddreg [dreg:$0x1]  }
0x3: {  	s2 =	rddreg [dreg:$0x2]  }
0x4: {  	s3 =	srdreg.scid;
	s11 =	stileid.u32  }
0x5: {  	s14 =	simm.s32 $0x80;
	s15 =	simm.s32 $0x2800;
	s16 =	simm.s32 $0x6800  }
0x6: {  	s18 =	simm.s32 $0xA800;
	s20 =	simm.s32 $0xE800;
	s21 =	simm.s32 $0x1  }
0x7: {  	s28 =	simm.s32 $0xD80;
	s29 =	simm.s32 $0xE00;
	s13 =	simm.s32 $0x1200  }
0x8: {  	s17 =	simm.s32 $0x1280;
	s19 =	simm.s32 $0x1300;
	s6 =	sand.u32 $0x1, s3  }
0x9: {  	s3 =	simm.s32 $0x0;
	s8 =	smul.u32 $0xA000, s11;
	s4 =	sadd.s32 $0x1A00, s0  }
0xa: {  	s5 =	sadd.s32 $0x15A00, s0;
	s10 =	smul.u32 $0x28000, s11;
	s12 =	sadd.s32 $0x1FA00, s0  }
0xb: {  	s24 =	sshll.u32 s11, $0x1;
	s26 =	sshll.u32 s11, $0x6;
	s11 =	simm.s32 $0x1180  }
0xc: {  	s7 =	smul.u32 $0xA0000, s6;
	[smem:$0x7FF] =	sst s3;
	s22 =	ssub.s32 $0x2, s6  }
0xd: {  	s6 =	sor.u32 s6, s24;
	s31 =	sor.u32 $0x1C05, s26;
	s24 =	simm.s32 $0x4  }
0xe: {  	s26 =	simm.s32 $0xD00;
	_ =	strace $0x80000047;
	s9 =	sshrl.u32 s22, $0x1  }
0xf: {  	[dreg:$0x4] =	wrdreg s12;
	s25 =	sshrl.u32 s10, $0x2;
	s12 =	simm.s32 $0x5  }
0x10: {  	[dreg:$0x5] =	wrdreg s31;
	s10 =	simm.s32 $0x1080;
	s7 =	sadd.s32 s8, s7  }
0x11: {  	s23 =	ssub.s32 s22, s9;
	s2 =	sadd.s32 s25, s2;
	s8 =	smul.u32 $0x50, s6  }
0x12: {  	s22 =	simm.s32 $0x2;
	s6 =	simm.s32 $0xF80;
	s7 =	sshrl.u32 s7, $0x3  }
0x13: {  	s9 =	simm.s32 $0x1000;
	s30 =	smax.u32 s23, $0x1;
	s0 =	sadd.s32 s7, s0  }
0x14: {  	s25 =	simm.s32 $0x1380;
	[dreg:$0x7] =	wrdreg s30;
	s0 =	sadd.s32 $0x20E00, s0  }
0x15: {  	s23 =	simm.s32 $0x3;
	[dreg:$0x6] =	wrdreg s0;
	s0 =	sshrl.u32 s2, $0x3  }
0x16: {  	s7 =	simm.s32 $0x1100;
	s2 =	simm.s32 $0x0;
	[dreg:$0x8] =	wrdreg s0  }
.LBB2_1:
0x17: {  	[dreg:$0x9] =	wrdreg s2  }
0x18: {  	s30 =	rddreg [dreg:$0x4]  }
0x19: {  	[spmem:s0], [sflag:s31] =	dma.local [hbm:s30], $0x1400  }
0x1a: {  	_ =	swait.ge [sflag:s12], $0x1400  }
0x1b: {  	[sflag:s12] =	ssyncset.done $0x0  }
0x1c: {  	p0 =	por $0x1, $0x1;
	s2 =	simm.s32 $0xF00;
	[sflag:s12] =	ssyncadd.s32 $0xFFFFEC00  }
0x1d: {  	s30 =	simm.s32 $0x0;
	s0 =	simm.s32 $0xE80;
	[bflag:$0x0] =	sbarrier.arrive $0xFFFF  }
.LBB2_2:
0x1e: {  	s30 =	sadd.s32 s8, s30  }
0x1f: {  	s30 =	sshll.u32 s30, $0x4  }
0x20: {  	s31 =	sadd.s32 s4, s30  }
0x21: {  	[tilespmem:s3], [sflag:$0x5] =	stream.linear.gather [hbm4b:s31+s3], $0x1400, $0x38;
	[tilespmem:$0x1C800] =	vst v63  }
0x22: {  	_ =	swait.ge [sflag:s12], $0x1400  }
0x23: {  	[sflag:s12] =	ssyncset.done $0x0  }
0x24: {  	s30 =	sadd.s32 s5, s30;
	s31 =	simm.s32 $0x1400;
	[sflag:s12] =	ssyncadd.s32 $0xFFFFEC00  }
0x25: {  	[tilespmem:s31], [sflag:$0x5] =	stream.linear.gather [hbm4b:s30+s3], $0x1400, $0x38;
	[tilespmem:$0x1C800] =	vst v63  }
0x26: {  	_ =	swait.ge [sflag:s12], $0x1400  }
0x27: {  	[sflag:s12] =	ssyncset.done $0x0  }
0x28: {  	[sflag:s12] =	ssyncadd.s32 $0xFFFFEC00  }
0x29: {  	[tilespmem:s15], [sflag:$0x1] =	stream.indirect.gather [hbm4b:s1+s14], $0x80, s3, s14, $0xb8;
	[tilespmem:$0x1C800] =	vst v63  }
0x2a: {  	_ = 	snop  }
0x2b: {  	[tilespmem:s16], [sflag:$0x2] =	stream.indirect.gather [hbm4b:s1+s14], $0x80, s14, s14, $0xb8;
	[tilespmem:$0x1C800] =	vst v63  }
0x2c: {  	s30 =	simm.s32 $0x100  }
0x2d: {  	[tilespmem:s18], [sflag:$0x3] =	stream.indirect.gather [hbm4b:s1+s14], $0x80, s30, s14, $0xb8;
	[tilespmem:$0x1C800] =	vst v63  }
0x2e: {  	s30 =	simm.s32 $0x180  }
0x2f: {  	[tilespmem:s20], [sflag:$0x4] =	stream.indirect.gather [hbm4b:s1+s14], $0x80, s30, s14, $0xb8;
	[tilespmem:$0x1C800] =	vst v63  }
0x30: {  	_ =	swait.ge [sflag:s21], $0x4000  }
0x31: {  	[sflag:s21] =	ssyncset.done $0x0  }
0x32: {  	[sflag:s21] =	ssyncadd.s32 $0xFFFFC000  }
0x33: {  	_ =	swait.ge [sflag:s22], $0x4000  }
0x34: {  	[sflag:s22] =	ssyncset.done $0x0  }
0x35: {  	[sflag:s22] =	ssyncadd.s32 $0xFFFFC000  }
0x36: {  	_ =	swait.ge [sflag:s23], $0x4000  }
0x37: {  	[sflag:s23] =	ssyncset.done $0x0  }
0x38: {  	[sflag:s23] =	ssyncadd.s32 $0xFFFFC000  }
0x39: {  	_ =	swait.ge [sflag:s24], $0x4000  }
0x3a: {  	[sflag:s24] =	ssyncset.done $0x0  }
0x3b: {  	s30 =	simm.s32 $0x200;
	[sflag:s24] =	ssyncadd.s32 $0xFFFFC000  }
0x3c: {  	[tilespmem:s15], [sflag:$0x1] =	stream.indirect.gather [hbm4b:s1+s14], $0x80, s30, s14, $0xb8;
	[tilespmem:$0x1C800] =	vst v63  }
0x3d: {  	s30 =	simm.s32 $0x280  }
0x3e: {  	[tilespmem:s16], [sflag:$0x2] =	stream.indirect.gather [hbm4b:s1+s14], $0x80, s30, s14, $0xb8;
	[tilespmem:$0x1C800] =	vst v63  }
0x3f: {  	s30 =	simm.s32 $0x300  }
0x40: {  	[tilespmem:s18], [sflag:$0x3] =	stream.indirect.gather [hbm4b:s1+s14], $0x80, s30, s14, $0xb8;
	[tilespmem:$0x1C800] =	vst v63  }
0x41: {  	s30 =	simm.s32 $0x380  }
0x42: {  	[tilespmem:s20], [sflag:$0x4] =	stream.indirect.gather [hbm4b:s1+s14], $0x80, s30, s14, $0xb8;
	[tilespmem:$0x1C800] =	vst v63  }
0x43: {  	_ =	swait.ge [sflag:s21], $0x4000  }
0x44: {  	[sflag:s21] =	ssyncset.done $0x0  }
0x45: {  	[sflag:s21] =	ssyncadd.s32 $0xFFFFC000  }
0x46: {  	_ =	swait.ge [sflag:s22], $0x4000  }
0x47: {  	[sflag:s22] =	ssyncset.done $0x0  }
0x48: {  	[sflag:s22] =	ssyncadd.s32 $0xFFFFC000  }
0x49: {  	_ =	swait.ge [sflag:s23], $0x4000  }
0x4a: {  	[sflag:s23] =	ssyncset.done $0x0  }
0x4b: {  	[sflag:s23] =	ssyncadd.s32 $0xFFFFC000  }
0x4c: {  	_ =	swait.ge [sflag:s24], $0x4000  }
0x4d: {  	[sflag:s24] =	ssyncset.done $0x0  }
0x4e: {  	s30 =	simm.s32 $0x400;
	[sflag:s24] =	ssyncadd.s32 $0xFFFFC000  }
0x4f: {  	[tilespmem:s15], [sflag:$0x1] =	stream.indirect.gather [hbm4b:s1+s14], $0x80, s30, s14, $0xb8;
	[tilespmem:$0x1C800] =	vst v63  }
0x50: {  	s30 =	simm.s32 $0x480  }
0x51: {  	[tilespmem:s16], [sflag:$0x2] =	stream.indirect.gather [hbm4b:s1+s14], $0x80, s30, s14, $0xb8;
	[tilespmem:$0x1C800] =	vst v63  }
0x52: {  	s30 =	simm.s32 $0x500  }
0x53: {  	[tilespmem:s18], [sflag:$0x3] =	stream.indirect.gather [hbm4b:s1+s14], $0x80, s30, s14, $0xb8;
	[tilespmem:$0x1C800] =	vst v63  }
0x54: {  	s30 =	simm.s32 $0x580  }
0x55: {  	[tilespmem:s20], [sflag:$0x4] =	stream.indirect.gather [hbm4b:s1+s14], $0x80, s30, s14, $0xb8;
	[tilespmem:$0x1C800] =	vst v63  }
0x56: {  	_ =	swait.ge [sflag:s21], $0x4000  }
0x57: {  	[sflag:s21] =	ssyncset.done $0x0  }
0x58: {  	[sflag:s21] =	ssyncadd.s32 $0xFFFFC000  }
0x59: {  	_ =	swait.ge [sflag:s22], $0x4000  }
0x5a: {  	[sflag:s22] =	ssyncset.done $0x0  }
0x5b: {  	[sflag:s22] =	ssyncadd.s32 $0xFFFFC000  }
0x5c: {  	_ =	swait.ge [sflag:s23], $0x4000  }
0x5d: {  	[sflag:s23] =	ssyncset.done $0x0  }
0x5e: {  	[sflag:s23] =	ssyncadd.s32 $0xFFFFC000  }
0x5f: {  	_ =	swait.ge [sflag:s24], $0x4000  }
0x60: {  	[sflag:s24] =	ssyncset.done $0x0  }
0x61: {  	s30 =	simm.s32 $0x600;
	[sflag:s24] =	ssyncadd.s32 $0xFFFFC000  }
0x62: {  	[tilespmem:s15], [sflag:$0x1] =	stream.indirect.gather [hbm4b:s1+s14], $0x80, s30, s14, $0xb8;
	[tilespmem:$0x1C800] =	vst v63  }
0x63: {  	s30 =	simm.s32 $0x680  }
0x64: {  	[tilespmem:s16], [sflag:$0x2] =	stream.indirect.gather [hbm4b:s1+s14], $0x80, s30, s14, $0xb8;
	[tilespmem:$0x1C800] =	vst v63  }
0x65: {  	s30 =	simm.s32 $0x700  }
0x66: {  	[tilespmem:s18], [sflag:$0x3] =	stream.indirect.gather [hbm4b:s1+s14], $0x80, s30, s14, $0xb8;
	[tilespmem:$0x1C800] =	vst v63  }
0x67: {  	s30 =	simm.s32 $0x780  }
0x68: {  	[tilespmem:s20], [sflag:$0x4] =	stream.indirect.gather [hbm4b:s1+s14], $0x80, s30, s14, $0xb8;
	[tilespmem:$0x1C800] =	vst v63  }
0x69: {  	_ =	swait.ge [sflag:s21], $0x4000  }
0x6a: {  	[sflag:s21] =	ssyncset.done $0x0  }
0x6b: {  	[sflag:s21] =	ssyncadd.s32 $0xFFFFC000  }
0x6c: {  	_ =	swait.ge [sflag:s22], $0x4000  }
0x6d: {  	[sflag:s22] =	ssyncset.done $0x0  }
0x6e: {  	[sflag:s22] =	ssyncadd.s32 $0xFFFFC000  }
0x6f: {  	_ =	swait.ge [sflag:s23], $0x4000  }
0x70: {  	[sflag:s23] =	ssyncset.done $0x0  }
0x71: {  	[sflag:s23] =	ssyncadd.s32 $0xFFFFC000  }
0x72: {  	_ =	swait.ge [sflag:s24], $0x4000  }
0x73: {  	[sflag:s24] =	ssyncset.done $0x0  }
0x74: {  	s30 =	simm.s32 $0x800;
	[sflag:s24] =	ssyncadd.s32 $0xFFFFC000  }
0x75: {  	[tilespmem:s15], [sflag:$0x1] =	stream.indirect.gather [hbm4b:s1+s14], $0x80, s30, s14, $0xb8;
	[tilespmem:$0x1C800] =	vst v63  }
0x76: {  	s30 =	simm.s32 $0x880  }
0x77: {  	[tilespmem:s16], [sflag:$0x2] =	stream.indirect.gather [hbm4b:s1+s14], $0x80, s30, s14, $0xb8;
	[tilespmem:$0x1C800] =	vst v63  }
0x78: {  	s30 =	simm.s32 $0x900  }
0x79: {  	[tilespmem:s18], [sflag:$0x3] =	stream.indirect.gather [hbm4b:s1+s14], $0x80, s30, s14, $0xb8;
	[tilespmem:$0x1C800] =	vst v63  }
0x7a: {  	s30 =	simm.s32 $0x980  }
0x7b: {  	[tilespmem:s20], [sflag:$0x4] =	stream.indirect.gather [hbm4b:s1+s14], $0x80, s30, s14, $0xb8;
	[tilespmem:$0x1C800] =	vst v63  }
0x7c: {  	_ =	swait.ge [sflag:s21], $0x4000  }
0x7d: {  	[sflag:s21] =	ssyncset.done $0x0  }
0x7e: {  	[sflag:s21] =	ssyncadd.s32 $0xFFFFC000  }
0x7f: {  	_ =	swait.ge [sflag:s22], $0x4000  }
0x80: {  	[sflag:s22] =	ssyncset.done $0x0  }
0x81: {  	[sflag:s22] =	ssyncadd.s32 $0xFFFFC000  }
0x82: {  	_ =	swait.ge [sflag:s23], $0x4000  }
0x83: {  	[sflag:s23] =	ssyncset.done $0x0  }
0x84: {  	[sflag:s23] =	ssyncadd.s32 $0xFFFFC000  }
0x85: {  	_ =	swait.ge [sflag:s24], $0x4000  }
0x86: {  	[sflag:s24] =	ssyncset.done $0x0  }
0x87: {  	s30 =	simm.s32 $0xA00;
	[sflag:s24] =	ssyncadd.s32 $0xFFFFC000  }
0x88: {  	[tilespmem:s15], [sflag:$0x1] =	stream.indirect.gather [hbm4b:s1+s14], $0x80, s30, s14, $0xb8;
	[tilespmem:$0x1C800] =	vst v63  }
0x89: {  	s30 =	simm.s32 $0xA80  }
0x8a: {  	[tilespmem:s16], [sflag:$0x2] =	stream.indirect.gather [hbm4b:s1+s14], $0x80, s30, s14, $0xb8;
	[tilespmem:$0x1C800] =	vst v63  }
0x8b: {  	s30 =	simm.s32 $0xB00  }
0x8c: {  	[tilespmem:s18], [sflag:$0x3] =	stream.indirect.gather [hbm4b:s1+s14], $0x80, s30, s14, $0xb8;
	[tilespmem:$0x1C800] =	vst v63  }
0x8d: {  	s30 =	simm.s32 $0xB80  }
0x8e: {  	[tilespmem:s20], [sflag:$0x4] =	stream.indirect.gather [hbm4b:s1+s14], $0x80, s30, s14, $0xb8;
	[tilespmem:$0x1C800] =	vst v63  }
0x8f: {  	_ =	swait.ge [sflag:s21], $0x4000  }
0x90: {  	[sflag:s21] =	ssyncset.done $0x0  }
0x91: {  	[sflag:s21] =	ssyncadd.s32 $0xFFFFC000  }
0x92: {  	_ =	swait.ge [sflag:s22], $0x4000  }
0x93: {  	[sflag:s22] =	ssyncset.done $0x0  }
0x94: {  	[sflag:s22] =	ssyncadd.s32 $0xFFFFC000  }
0x95: {  	_ =	swait.ge [sflag:s23], $0x4000  }
0x96: {  	[sflag:s23] =	ssyncset.done $0x0  }
0x97: {  	[sflag:s23] =	ssyncadd.s32 $0xFFFFC000  }
0x98: {  	_ =	swait.ge [sflag:s24], $0x4000  }
0x99: {  	[sflag:s24] =	ssyncset.done $0x0  }
0x9a: {  	s30 =	simm.s32 $0xC00;
	[sflag:s24] =	ssyncadd.s32 $0xFFFFC000  }
0x9b: {  	[tilespmem:s15], [sflag:$0x1] =	stream.indirect.gather [hbm4b:s1+s14], $0x80, s30, s14, $0xb8;
	[tilespmem:$0x1C800] =	vst v63  }
0x9c: {  	s30 =	simm.s32 $0xC80  }
0x9d: {  	[tilespmem:s16], [sflag:$0x2] =	stream.indirect.gather [hbm4b:s1+s14], $0x80, s30, s14, $0xb8;
	[tilespmem:$0x1C800] =	vst v63  }
0x9e: {  	_ = 	snop  }
0x9f: {  	[tilespmem:s18], [sflag:$0x3] =	stream.indirect.gather [hbm4b:s1+s14], $0x80, s26, s14, $0xb8;
	[tilespmem:$0x1C800] =	vst v63  }
0xa0: {  	_ = 	snop  }
0xa1: {  	[tilespmem:s20], [sflag:$0x4] =	stream.indirect.gather [hbm4b:s1+s14], $0x80, s28, s14, $0xb8;
	[tilespmem:$0x1C800] =	vst v63  }
0xa2: {  	_ =	swait.ge [sflag:s21], $0x4000  }
0xa3: {  	[sflag:s21] =	ssyncset.done $0x0  }
0xa4: {  	[sflag:s21] =	ssyncadd.s32 $0xFFFFC000  }
0xa5: {  	_ =	swait.ge [sflag:s22], $0x4000  }
0xa6: {  	[sflag:s22] =	ssyncset.done $0x0  }
0xa7: {  	[sflag:s22] =	ssyncadd.s32 $0xFFFFC000  }
0xa8: {  	_ =	swait.ge [sflag:s23], $0x4000  }
0xa9: {  	[sflag:s23] =	ssyncset.done $0x0  }
0xaa: {  	[sflag:s23] =	ssyncadd.s32 $0xFFFFC000  }
0xab: {  	_ =	swait.ge [sflag:s24], $0x4000  }
0xac: {  	[sflag:s24] =	ssyncset.done $0x0  }
0xad: {  	[sflag:s24] =	ssyncadd.s32 $0xFFFFC000  }
0xae: {  	[tilespmem:s15], [sflag:$0x1] =	stream.indirect.gather [hbm4b:s1+s14], $0x80, s29, s14, $0xb8;
	[tilespmem:$0x1C800] =	vst v63  }
0xaf: {  	_ = 	snop  }
0xb0: {  	[tilespmem:s16], [sflag:$0x2] =	stream.indirect.gather [hbm4b:s1+s14], $0x80, s0, s14, $0xb8;
	[tilespmem:$0x1C800] =	vst v63  }
0xb1: {  	_ = 	snop  }
0xb2: {  	[tilespmem:s18], [sflag:$0x3] =	stream.indirect.gather [hbm4b:s1+s14], $0x80, s2, s14, $0xb8;
	[tilespmem:$0x1C800] =	vst v63  }
0xb3: {  	_ = 	snop  }
0xb4: {  	[tilespmem:s20], [sflag:$0x4] =	stream.indirect.gather [hbm4b:s1+s14], $0x80, s6, s14, $0xb8;
	[tilespmem:$0x1C800] =	vst v63  }
0xb5: {  	_ =	swait.ge [sflag:s21], $0x4000  }
0xb6: {  	[sflag:s21] =	ssyncset.done $0x0  }
0xb7: {  	[sflag:s21] =	ssyncadd.s32 $0xFFFFC000  }
0xb8: {  	_ =	swait.ge [sflag:s22], $0x4000  }
0xb9: {  	[sflag:s22] =	ssyncset.done $0x0  }
0xba: {  	[sflag:s22] =	ssyncadd.s32 $0xFFFFC000  }
0xbb: {  	_ =	swait.ge [sflag:s23], $0x4000  }
0xbc: {  	[sflag:s23] =	ssyncset.done $0x0  }
0xbd: {  	[sflag:s23] =	ssyncadd.s32 $0xFFFFC000  }
0xbe: {  	_ =	swait.ge [sflag:s24], $0x4000  }
0xbf: {  	[sflag:s24] =	ssyncset.done $0x0  }
0xc0: {  	[sflag:s24] =	ssyncadd.s32 $0xFFFFC000  }
0xc1: {  	[tilespmem:s15], [sflag:$0x1] =	stream.indirect.gather [hbm4b:s1+s14], $0x80, s9, s14, $0xb8;
	[tilespmem:$0x1C800] =	vst v63  }
0xc2: {  	_ = 	snop  }
0xc3: {  	[tilespmem:s16], [sflag:$0x2] =	stream.indirect.gather [hbm4b:s1+s14], $0x80, s10, s14, $0xb8;
	[tilespmem:$0x1C800] =	vst v63  }
0xc4: {  	_ = 	snop  }
0xc5: {  	[tilespmem:s18], [sflag:$0x3] =	stream.indirect.gather [hbm4b:s1+s14], $0x80, s7, s14, $0xb8;
	[tilespmem:$0x1C800] =	vst v63  }
0xc6: {  	_ = 	snop  }
0xc7: {  	[tilespmem:s20], [sflag:$0x4] =	stream.indirect.gather [hbm4b:s1+s14], $0x80, s11, s14, $0xb8;
	[tilespmem:$0x1C800] =	vst v63  }
0xc8: {  	_ =	swait.ge [sflag:s21], $0x4000  }
0xc9: {  	[sflag:s21] =	ssyncset.done $0x0  }
0xca: {  	[sflag:s21] =	ssyncadd.s32 $0xFFFFC000  }
0xcb: {  	_ =	swait.ge [sflag:s22], $0x4000  }
0xcc: {  	[sflag:s22] =	ssyncset.done $0x0  }
0xcd: {  	[sflag:s22] =	ssyncadd.s32 $0xFFFFC000  }
0xce: {  	_ =	swait.ge [sflag:s23], $0x4000  }
0xcf: {  	[sflag:s23] =	ssyncset.done $0x0  }
0xd0: {  	[sflag:s23] =	ssyncadd.s32 $0xFFFFC000  }
0xd1: {  	_ =	swait.ge [sflag:s24], $0x4000  }
0xd2: {  	[sflag:s24] =	ssyncset.done $0x0  }
0xd3: {  	[sflag:s24] =	ssyncadd.s32 $0xFFFFC000  }
0xd4: {  	[tilespmem:s15], [sflag:$0x1] =	stream.indirect.gather [hbm4b:s1+s14], $0x80, s13, s14, $0xb8;
	[tilespmem:$0x1C800] =	vst v63  }
0xd5: {  	_ = 	snop  }
0xd6: {  	[tilespmem:s16], [sflag:$0x2] =	stream.indirect.gather [hbm4b:s1+s14], $0x80, s17, s14, $0xb8;
	[tilespmem:$0x1C800] =	vst v63  }
0xd7: {  	_ = 	snop  }
0xd8: {  	[tilespmem:s18], [sflag:$0x3] =	stream.indirect.gather [hbm4b:s1+s14], $0x80, s19, s14, $0xb8;
	[tilespmem:$0x1C800] =	vst v63  }
0xd9: {  	_ = 	snop  }
0xda: {  	[tilespmem:s20], [sflag:$0x4] =	stream.indirect.gather [hbm4b:s1+s14], $0x80, s25, s14, $0xb8;
	[tilespmem:$0x1C800] =	vst v63  }
0xdb: {  	_ =	swait.ge [sflag:s21], $0x4000  }
0xdc: {  	[sflag:s21] =	ssyncset.done $0x0  }
0xdd: {  	[sflag:s21] =	ssyncadd.s32 $0xFFFFC000  }
0xde: {  	_ =	swait.ge [sflag:s22], $0x4000  }
0xdf: {  	[sflag:s22] =	ssyncset.done $0x0  }
0xe0: {  	[sflag:s22] =	ssyncadd.s32 $0xFFFFC000  }
0xe1: {  	p1 =	por p0, p0;
	_ =	swait.ge [sflag:s23], $0x4000  }
.Ltmp0:
0xe2: {  	[sflag:s23] =	ssyncset.done $0x0;
	(pc) =	sbr.rel @p1 .LBB2_2-.Ltmp0, $4  }
0xe3: {  	[sflag:s23] =	ssyncadd.s32 $0xFFFFC000  }
0xe4: {  	_ =	swait.ge [sflag:s24], $0x4000  }
0xe5: {  	[sflag:s24] =	ssyncset.done $0x0  }
0xe6: {  	p0 =	por $0x0, $0x0;
	s30 =	simm.s32 $0x28;
	[sflag:s24] =	ssyncadd.s32 $0xFFFFC000  }
0xe7: {  	[bflag:$0x0] =	sbarrier.arrive $0xFFFF  }
0xe8: {  	s31 =	rddreg [dreg:$0x5]  }
0xe9: {  	s30 =	rddreg [dreg:$0x6]  }
0xea: {  	s0 =	rddreg [dreg:$0x8]  }
0xeb: {  	[hbm:s30], [sflag:s31] =	dma.local [spmem:s0], $0x1400  }
0xec: {  	_ =	swait.ge [sflag:s12], $0x1400  }
0xed: {  	s2 =	rddreg [dreg:$0x9]  }
0xee: {  	s30 =	rddreg [dreg:$0x7];
	s2 =	sadd.s32 $0x1, s2  }
0xef: {  	p0 =	sne.s32 s2, s30  }
.Ltmp1:
0xf0: {  	_ = 	snop;
	(pc) =	sbr.rel @p0 .LBB2_1-.Ltmp1, $3  }
0xf1: {  	_ =	sdelay $0x1  }
0xf2: {  	[sflag:s12] =	ssyncset.done $0x0  }
0xf3: {  	[sflag:s12] =	ssyncadd.s32 $0xFFFFEC00  }
0xf4: {  	_ =	sfence.sel $0x180000  }
0xf5: {  	[bflag:$0x0] =	sbarrier.arrive $0xFFFF  }
0xf6: {  	_ =	strace $0x90000047  }
0xf7: {  	s0 =	stileid.u32;
	[bflag:$0x2] =	sbarrier.arrive $0xFFFF  }
0xf8: {  	p0 =	sne.s32 s0, $0x0;
	s0 =	rddreg [dreg:$0x3]  }
0xf9: {  	s0 =	sadd.s32 @!p0 $0x100000, s0  }
0xfa: {  	[sflag:s0] =	ssyncadd.tile.s32 @!p0 $0x1;
	_ =	shalt  }
.Lfunc_end2:
_tile_overlayer_lowered:
.L_overlay_start_2:
0xfb: {  	(tag) =	ssettag $0x2  }
0xfc: {  	s0 =	rddreg [dreg:$0x0];
	s2 =	stileid.u32  }
0xfd: {  	s1 =	rddreg [dreg:$0x1];
	p0 =	sne.s32 s2, $0x0  }
0xfe: {  	s3 =	rddreg [dreg:$0x2];
	[bflag:$0x3] =	sbarrier.arrive $0xFFFF;
	s2 =	simm.s32 @!p0 $0x1C05  }
0xff: {  	[timem:s3], [sflag:s2] =	dma.local @!p0 [hbm:s0], s1  }
0x100: {  	s0 =	simm.s32 @!p0 $0x5  }
0x101: {  	_ =	swait.ge @!p0 [sflag:s0], s1  }
0x102: {  	s1 =	ssub.s32 @!p0 $0x0, s1;
	[sflag:s0] =	ssyncset.done @!p0 $0x0  }
0x103: {  	[sflag:s0] =	ssyncadd.s32 @!p0 s1  }
0x104: {  	[bflag:$0x3] =	sbarrier.arrive $0xFFFF  }
0x105: {  	_ =	shalt  }

</sc_bundles>
